<compile_context>
chip_gen: v7x
topology: tpu7x:2x2x1
jax: 0.10.2.dev20260603
libtpu: 0.0.44.dev20260713+nightly
codegen_flags: <defaults>
</compile_context>

<pallas_src>
import functools

import jax
import jax.numpy as jnp
import numpy as np
from jax import lax
from jax.experimental import pallas as pl
from jax.experimental.pallas import tpu as pltpu
from jax.experimental.pallas import tpu_sc as plsc

KNN = 32
C_OUT = 128
BLK = 256
GW = 4
CHUNK = 128
NBUF = 8


def _topk_kernel(x_ref, bt_ref, idx_ref):
    x = x_ref[0]
    bt = bt_ref[0]
    n = bt.shape[1]
    xb = None
    x2 = None
    b2 = None
    for c in range(3):
        xc = x[:, c:c + 1]
        bc = bt[c:c + 1, :]
        xcl = xc.astype(jnp.bfloat16).astype(jnp.float32)
        bcl = bc.astype(jnp.bfloat16).astype(jnp.float32)
        t = xcl * bcl
        xb = t if xb is None else xb + t
        x2 = xc * xc if x2 is None else x2 + xc * xc
        b2 = bc * bc if b2 is None else b2 + bc * bc
    d = ((-2.0 * xb) + x2) + b2
    iota = jax.lax.broadcasted_iota(jnp.int32, d.shape, 1)
    cols = []
    for k in range(KNN):
        rmin = jnp.min(d, axis=1, keepdims=True)
        cand = jnp.where(d == rmin, iota, jnp.int32(n))
        amin = jnp.min(cand, axis=1, keepdims=True)
        cols.append(amin)
        d = jnp.where(iota == amin, jnp.float32(jnp.inf), d)
    base = pl.program_id(0) * n
    idx_ref[0] = jnp.concatenate(cols, axis=1) + base


def _attn_kernel(x_ref, g_ref, wq_ref, bq_ref, wk_ref, bk_ref, wv_ref,
                 bv_ref, wr_ref, br_ref, wf_ref, bf_ref, yr_ref, yf_ref):
    def _r(v):
        return v.astype(jnp.bfloat16).astype(jnp.float32)

    x = x_ref[...]
    g = g_ref[...]
    wq = _r(wq_ref[...])
    wk = _r(wk_ref[...])
    wv = _r(wv_ref[...])
    wr = _r(wr_ref[...])
    lq = None
    yr = None
    lk = None
    lv = None
    for c in range(3):
        xc = x[:, c:c + 1]
        xcl = _r(xc)
        lq = (0.0 if lq is None else lq) + xcl * wq[c:c + 1, :]
        yr = (0.0 if yr is None else yr) + xcl * wr[c:c + 1, :]
        rel_c = _r(g[:, :, c:c + 1] - xc[:, :, None])
        lk = (0.0 if lk is None else lk) + rel_c * wk[c:c + 1, :][None]
        lv = (0.0 if lv is None else lv) + rel_c * wv[c:c + 1, :][None]
    lq = lq + bq_ref[...]
    yr = yr + br_ref[...]
    lk = lk + bk_ref[...][None]
    lv = lv + bv_ref[...][None]
    energy = (lq[:, None, :] - lk) / np.float32(np.sqrt(C_OUT))
    m = jnp.max(energy, axis=1, keepdims=True)
    e = jnp.exp(energy - m)
    p = e / jnp.sum(e, axis=1, keepdims=True)
    a = p - jnp.sum(p, axis=1, keepdims=True)
    ctx = jnp.max(a * lv, axis=1)
    yr_ref[...] = yr
    yf_ref[...] = jnp.dot(ctx.astype(jnp.bfloat16),
                          wf_ref[...].astype(jnp.bfloat16),
                          preferred_element_type=jnp.float32) + bf_ref[...]


def _make_sc_gather(n_idx, n_rows):
    info = plsc.get_sparse_core_info()
    nw = info.num_cores * info.num_subcores
    n_chunks = n_idx // CHUNK
    cpw = n_chunks // nw
    assert cpw % NBUF == 0 and n_chunks % nw == 0
    mesh = plsc.VectorSubcoreMesh(core_axis_name="c", subcore_axis_name="s")

    bufs = [pltpu.VMEM((CHUNK, GW), jnp.float32) for _ in range(NBUF)]
    gsems = [pltpu.SemaphoreType.DMA for _ in range(NBUF)]
    ssems = [pltpu.SemaphoreType.DMA for _ in range(NBUF)]

    @functools.partial(
        pl.kernel,
        mesh=mesh,
        compiler_params=pltpu.CompilerParams(use_tc_tiling_on_sc=False),
        out_type=jax.ShapeDtypeStruct((n_idx, GW), jnp.float32),
        scratch_types=[pltpu.VMEM((cpw, CHUNK), jnp.int32)] + bufs + gsems
        + ssems,
    )
    def gather(idx_hbm, table_hbm, out_hbm, idx_v, *bs):
        buf = bs[:NBUF]
        gsem = bs[NBUF:2 * NBUF]
        ssem = bs[2 * NBUF:]
        wid = lax.axis_index("s") * info.num_cores + lax.axis_index("c")
        c0 = wid * cpw
        pltpu.sync_copy(idx_hbm.at[pl.ds(c0, cpw)], idx_v)

        def gather_cp(c, b):
            return pltpu.make_async_copy(table_hbm.at[idx_v.at[c]], buf[b],
                                         gsem[b])

        def store_cp(c, b):
            return pltpu.make_async_copy(
                buf[b], out_hbm.at[pl.ds((c0 + c) * CHUNK, CHUNK)], ssem[b])

        for b in range(NBUF):
            gather_cp(b, b).start()

        def body(t, _):
            c = t * NBUF
            for b in range(NBUF):
                gather_cp(c + b, b).wait()
                store_cp(c + b, b).start()
            for b in range(NBUF):
                store_cp(c + b, b).wait()

                @pl.when(c + b + NBUF < cpw)
                def _():
                    gather_cp(c + b + NBUF, b).start()
            return 0

        lax.fori_loop(0, cpw // NBUF, body, 0)

    return gather


def _leaky(x):
    return jnp.where(x >= 0, x, 0.2 * x)


def _bn_kernel(yr_ref, yf_ref, gr_ref, ber_ref, gf_ref, bef_ref, out_ref):
    def bn(y, gamma, beta):
        mean = jnp.mean(y, axis=0, keepdims=True)
        var = jnp.mean((y - mean) ** 2, axis=0, keepdims=True)
        return gamma * (y - mean) / jnp.sqrt(var + 1e-5) + beta

    hr = _leaky(bn(yr_ref[...], gr_ref[...], ber_ref[...]))
    hf = _leaky(bn(yf_ref[...], gf_ref[...], bef_ref[...]))
    out_ref[...] = hr + hf


def _full(shape):
    nd = len(shape)
    return pl.BlockSpec(shape, lambda *args: (0,) * nd)


def kernel(xyz, base_xyz, W_q, b_q, W_k, b_k, W_v, b_v, W_res, b_res,
           g_res, be_res, W_ffn, b_ffn, g_ffn, be_ffn):
    B, N, _ = xyz.shape
    BN = B * N
    base_t = jnp.transpose(base_xyz, (0, 2, 1))

    idx = pl.pallas_call(
        _topk_kernel,
        grid=(B, N // BLK),
        in_specs=[
            pl.BlockSpec((1, BLK, 3), lambda b, i: (b, i, 0)),
            pl.BlockSpec((1, 3, N), lambda b, i: (b, 0, 0)),
        ],
        out_specs=pl.BlockSpec((1, BLK, KNN), lambda b, i: (b, i, 0)),
        out_shape=jax.ShapeDtypeStruct((B, N, KNN), jnp.int32),
    )(xyz, base_t)

    n_idx = BN * KNN
    table = jnp.pad(xyz.reshape(BN, 3), ((0, 0), (0, GW - 3)))
    idx_chunks = idx.reshape(n_idx // CHUNK, CHUNK)
    gath_flat = _make_sc_gather(n_idx, BN)(idx_chunks, table)
    gath_flat = gath_flat.reshape(BN, KNN, GW)

    xyz_flat = xyz.reshape(BN, 3)
    b2 = lambda v: v.reshape(1, C_OUT)
    yr, yf = pl.pallas_call(
        _attn_kernel,
        grid=(BN // BLK,),
        in_specs=[
            pl.BlockSpec((BLK, 3), lambda i: (i, 0)),
            pl.BlockSpec((BLK, KNN, GW), lambda i: (i, 0, 0)),
            _full((3, C_OUT)), _full((1, C_OUT)),
            _full((3, C_OUT)), _full((1, C_OUT)),
            _full((3, C_OUT)), _full((1, C_OUT)),
            _full((3, C_OUT)), _full((1, C_OUT)),
            _full((C_OUT, C_OUT)), _full((1, C_OUT)),
        ],
        out_specs=[
            pl.BlockSpec((BLK, C_OUT), lambda i: (i, 0)),
            pl.BlockSpec((BLK, C_OUT), lambda i: (i, 0)),
        ],
        out_shape=[
            jax.ShapeDtypeStruct((BN, C_OUT), jnp.float32),
            jax.ShapeDtypeStruct((BN, C_OUT), jnp.float32),
        ],
    )(xyz_flat, gath_flat, W_q, b2(b_q), W_k, b2(b_k), W_v, b2(b_v),
      W_res, b2(b_res), W_ffn, b2(b_ffn))

    out = pl.pallas_call(
        _bn_kernel,
        in_specs=[
            _full((BN, C_OUT)), _full((BN, C_OUT)),
            _full((1, C_OUT)), _full((1, C_OUT)),
            _full((1, C_OUT)), _full((1, C_OUT)),
        ],
        out_specs=_full((BN, C_OUT)),
        out_shape=jax.ShapeDtypeStruct((BN, C_OUT), jnp.float32),
    )(yr, yf, b2(g_res), b2(be_res), b2(g_ffn), b2(be_ffn))

    return out.reshape(B, N, C_OUT)

# --- scband reference (transcript-rebuilt; emitter-appended) ---
"""Pipeline reference for scband-keep-high-resolution-module-75136157876253 (READ-ONLY COPY).

The authoritative reference and input builder live on the scoring server;
editing this copy changes nothing except your own understanding.
"""

import jax, jax.numpy as jnp
import numpy as np

K_NN = 32
OUT_C = 128


def _bn(x, gamma, beta):
    # BatchNorm1d (training-mode batch stats) applied per channel over all other dims
    mean = jnp.mean(x, axis=(0, 1), keepdims=True)
    var = jnp.var(x, axis=(0, 1), keepdims=True)
    return gamma * (x - mean) / jnp.sqrt(var + 1e-5) + beta


def _leaky(x):
    return jnp.where(x >= 0, x, 0.2 * x)


def _linear_block(x, W, b, gamma, beta):
    # Linear(in, out, bn=False): linear -> BatchNorm1d -> LeakyReLU(0.2)
    return _leaky(_bn(x @ W + b, gamma, beta))


def _index_points(points, idx):
    # points: [B, N, C], idx: [B, S, K] -> [B, S, K, C]
    return jax.vmap(lambda p, i: p[i])(points, idx)


def setup_inputs(seed: int = 0):
    key = jax.random.key(seed)
    ks = jax.random.split(key, 20)
    B, N = 8, 2048
    inp = {}
    inp['xyz'] = jax.random.normal(ks[0], (B, N, 3), jnp.float32)
    inp['base_xyz'] = jax.random.normal(ks[1], (B, N, 3), jnp.float32)

    def lin(k, fi, fo):
        return jax.random.normal(k, (fi, fo), jnp.float32) / np.sqrt(fi)

    inp['W_q'] = lin(ks[2], 3, OUT_C)
    inp['b_q'] = jnp.zeros((OUT_C,), jnp.float32)
    inp['W_k'] = lin(ks[3], 3, OUT_C)
    inp['b_k'] = jnp.zeros((OUT_C,), jnp.float32)
    inp['W_v'] = lin(ks[4], 3, OUT_C)
    inp['b_v'] = jnp.zeros((OUT_C,), jnp.float32)
    inp['W_res'] = lin(ks[5], 3, OUT_C)
    inp['b_res'] = jnp.zeros((OUT_C,), jnp.float32)
    inp['g_res'] = jnp.ones((OUT_C,), jnp.float32)
    inp['be_res'] = jnp.zeros((OUT_C,), jnp.float32)
    inp['W_ffn'] = lin(ks[6], OUT_C, OUT_C)
    inp['b_ffn'] = jnp.zeros((OUT_C,), jnp.float32)
    inp['g_ffn'] = jnp.ones((OUT_C,), jnp.float32)
    inp['be_ffn'] = jnp.zeros((OUT_C,), jnp.float32)
    return inp


def reference(xyz, base_xyz, W_q, b_q, W_k, b_k, W_v, b_v, W_res, b_res, g_res, be_res, W_ffn, b_ffn, g_ffn, be_ffn):
    # knn_point(K_NN, base_xyz, xyz): squared-distance matrix + topk smallest
    sq = -2.0 * jnp.einsum('bnc,bmc->bnm', xyz, base_xyz)
    sq = sq + jnp.sum(xyz ** 2, -1)[:, :, None] + jnp.sum(base_xyz ** 2, -1)[:, None, :]
    _, idx = jax.lax.top_k(-sq, K_NN)  # [B, N, K_NN] indices of nearest neighbors

    # LocalTrans(3, OUT_C, K_NN, residual=True), xyz=True path, FPS_idx=None
    center = xyz  # center_features = features
    gathered = _index_points(xyz, idx)  # [B, N, K, 3]
    rel = gathered - center[:, :, None, :]
    lq = (center @ W_q + b_q)[:, :, None, :]  # [B, N, 1, OUT]
    lk = rel @ W_k + b_k  # [B, N, K, OUT]
    lv = rel @ W_v + b_v  # [B, N, K, OUT]
    energy = lq - lk
    attn = jax.nn.softmax(energy / np.sqrt(OUT_C), axis=-2)
    attn = attn - jnp.sum(attn, axis=2, keepdims=True)
    context = jnp.max(attn * lv, axis=2)  # [B, N, OUT]
    residual = _linear_block(center, W_res, b_res, g_res, be_res)  # conv_res (residual=True)
    out = residual + _linear_block(context, W_ffn, b_ffn, g_ffn, be_ffn)
    return out

if __name__ == "__main__":
    import jax
    _d = setup_inputs()
    print(jax.jit(kernel)(*tuple(_d.values())))

</pallas_src>

<mosaic_0001>
#map = affine_map<(d0, d1) -> (0, 0)>
module attributes {stable_mosaic.version = 14 : i64} {
  func.func @gather(%arg0: i32, %arg1: i32, %arg2: memref<4096x128xi32, #tpu.memory_space<hbm>>, %arg3: memref<16384x4xf32, #tpu.memory_space<hbm>>, %arg4: memref<524288x4xf32, #tpu.memory_space<hbm>>, %arg5: memref<128x128xi32, #tpu.memory_space<vmem>>, %arg6: memref<128x4xf32, #tpu.memory_space<vmem>>, %arg7: memref<128x4xf32, #tpu.memory_space<vmem>>, %arg8: memref<128x4xf32, #tpu.memory_space<vmem>>, %arg9: memref<128x4xf32, #tpu.memory_space<vmem>>, %arg10: memref<128x4xf32, #tpu.memory_space<vmem>>, %arg11: memref<128x4xf32, #tpu.memory_space<vmem>>, %arg12: memref<128x4xf32, #tpu.memory_space<vmem>>, %arg13: memref<128x4xf32, #tpu.memory_space<vmem>>, %arg14: memref<!tpu.dma_semaphore, #tpu.memory_space<semaphore_mem>>, %arg15: memref<!tpu.dma_semaphore, #tpu.memory_space<semaphore_mem>>, %arg16: memref<!tpu.dma_semaphore, #tpu.memory_space<semaphore_mem>>, %arg17: memref<!tpu.dma_semaphore, #tpu.memory_space<semaphore_mem>>, %arg18: memref<!tpu.dma_semaphore, #tpu.memory_space<semaphore_mem>>, %arg19: memref<!tpu.dma_semaphore, #tpu.memory_space<semaphore_mem>>, %arg20: memref<!tpu.dma_semaphore, #tpu.memory_space<semaphore_mem>>, %arg21: memref<!tpu.dma_semaphore, #tpu.memory_space<semaphore_mem>>, %arg22: memref<!tpu.dma_semaphore, #tpu.memory_space<semaphore_mem>>, %arg23: memref<!tpu.dma_semaphore, #tpu.memory_space<semaphore_mem>>, %arg24: memref<!tpu.dma_semaphore, #tpu.memory_space<semaphore_mem>>, %arg25: memref<!tpu.dma_semaphore, #tpu.memory_space<semaphore_mem>>, %arg26: memref<!tpu.dma_semaphore, #tpu.memory_space<semaphore_mem>>, %arg27: memref<!tpu.dma_semaphore, #tpu.memory_space<semaphore_mem>>, %arg28: memref<!tpu.dma_semaphore, #tpu.memory_space<semaphore_mem>>, %arg29: memref<!tpu.dma_semaphore, #tpu.memory_space<semaphore_mem>>) attributes {dimension_semantics = [#tpu.dimension_semantics<core_parallel>, #tpu.dimension_semantics<subcore_parallel>], iteration_bounds = array<i64: 2, 16>, scalar_prefetch = 0 : i64, scratch_operands = 25 : i64, tpu.core_type = #tpu.core_type<sc_vector_subcore>, window_params = [{transform_indices = #map}, {transform_indices = #map}, {transform_indices = #map}]} {
    %mul3A = arith.constant 2 : i32
    %mul3A_0 = arith.muli %arg1, %mul3A : i32
    %add3A = arith.addi %mul3A_0, %arg0 : i32
    %mul3A_1 = arith.constant 128 : i32
    %mul3A_2 = arith.muli %add3A, %mul3A_1 : i32
    "tpu.region"() ({
      %run_scoped3A = tpu.sem_alloc : memref<!tpu.dma_semaphore, #tpu.memory_space<semaphore_mem>>
      %dma_start3A_64 = arith.constant 0 : i32
      %dma_start3A_65 = tpu.memref_slice %arg2[%mul3A_2, %dma_start3A_64] : memref<4096x128xi32, #tpu.memory_space<hbm>> -> memref<128x128xi32, #tpu.memory_space<hbm>>
      %dma_start3A_66 = arith.constant 0 : i32
      %dma_start3A_67 = tpu.memref_slice %arg2[%mul3A_2, %dma_start3A_66] : memref<4096x128xi32, #tpu.memory_space<hbm>> -> memref<128x128xi32, #tpu.memory_space<hbm>>
      tpu.enqueue_dma source(%dma_start3A_67 : memref<128x128xi32, #tpu.memory_space<hbm>>) target(%arg5 : memref<128x128xi32, #tpu.memory_space<vmem>>) target_semaphore(%run_scoped3A : memref<!tpu.dma_semaphore, #tpu.memory_space<semaphore_mem>>)
      %dma_wait3A = arith.constant 0 : i32
      %dma_wait3A_68 = tpu.memref_slice %arg2[%mul3A_2, %dma_wait3A] : memref<4096x128xi32, #tpu.memory_space<hbm>> -> memref<128x128xi32, #tpu.memory_space<hbm>>
      %dma_wait3A_69 = arith.constant 0 : i32
      %dma_wait3A_70 = tpu.memref_slice %arg2[%mul3A_2, %dma_wait3A_69] : memref<4096x128xi32, #tpu.memory_space<hbm>> -> memref<128x128xi32, #tpu.memory_space<hbm>>
      tpu.wait_dma2 semaphore(%run_scoped3A : memref<!tpu.dma_semaphore, #tpu.memory_space<semaphore_mem>>) src(%dma_wait3A_70 : memref<128x128xi32, #tpu.memory_space<hbm>>) dst(%arg5 : memref<128x128xi32, #tpu.memory_space<vmem>>)
      tpu.yield
    }) : () -> ()
    %dma_start3A = arith.constant 0 : i32
    %dma_start3A_3 = arith.constant 0 : i32
    %dma_start3A_4 = tpu.memref_slice %arg5[%dma_start3A, %dma_start3A_3] : memref<128x128xi32, #tpu.memory_space<vmem>> -> memref<1x128xi32, #tpu.memory_space<vmem>>
    %dma_start3A_5 = tpu.memref_squeeze %dma_start3A_4 : memref<1x128xi32, #tpu.memory_space<vmem>> -> memref<128xi32, #tpu.memory_space<vmem>>
    %dma_start3A_6 = arith.constant 0 : i32
    %dma_start3A_7 = arith.constant 0 : i32
    %dma_start3A_8 = tpu.memref_slice %arg3[%dma_start3A_6, %dma_start3A_7] : memref<16384x4xf32, #tpu.memory_space<hbm>> -> memref<16384x4xf32, #tpu.memory_space<hbm>>
    tpu.enqueue_indirect_dma source(%dma_start3A_8 : memref<16384x4xf32, #tpu.memory_space<hbm>>) target(%arg6 : memref<128x4xf32, #tpu.memory_space<vmem>>) offsets(%dma_start3A_5 : memref<128xi32, #tpu.memory_space<vmem>>) semaphore(%arg14 : memref<!tpu.dma_semaphore, #tpu.memory_space<semaphore_mem>>)
    %dma_start3A_9 = arith.constant 1 : i32
    %dma_start3A_10 = arith.constant 0 : i32
    %dma_start3A_11 = tpu.memref_slice %arg5[%dma_start3A_9, %dma_start3A_10] : memref<128x128xi32, #tpu.memory_space<vmem>> -> memref<1x128xi32, #tpu.memory_space<vmem>>
    %dma_start3A_12 = tpu.memref_squeeze %dma_start3A_11 : memref<1x128xi32, #tpu.memory_space<vmem>> -> memref<128xi32, #tpu.memory_space<vmem>>
    %dma_start3A_13 = arith.constant 0 : i32
    %dma_start3A_14 = arith.constant 0 : i32
    %dma_start3A_15 = tpu.memref_slice %arg3[%dma_start3A_13, %dma_start3A_14] : memref<16384x4xf32, #tpu.memory_space<hbm>> -> memref<16384x4xf32, #tpu.memory_space<hbm>>
    tpu.enqueue_indirect_dma source(%dma_start3A_15 : memref<16384x4xf32, #tpu.memory_space<hbm>>) target(%arg7 : memref<128x4xf32, #tpu.memory_space<vmem>>) offsets(%dma_start3A_12 : memref<128xi32, #tpu.memory_space<vmem>>) semaphore(%arg15 : memref<!tpu.dma_semaphore, #tpu.memory_space<semaphore_mem>>)
    %dma_start3A_16 = arith.constant 2 : i32
    %dma_start3A_17 = arith.constant 0 : i32
    %dma_start3A_18 = tpu.memref_slice %arg5[%dma_start3A_16, %dma_start3A_17] : memref<128x128xi32, #tpu.memory_space<vmem>> -> memref<1x128xi32, #tpu.memory_space<vmem>>
    %dma_start3A_19 = tpu.memref_squeeze %dma_start3A_18 : memref<1x128xi32, #tpu.memory_space<vmem>> -> memref<128xi32, #tpu.memory_space<vmem>>
    %dma_start3A_20 = arith.constant 0 : i32
    %dma_start3A_21 = arith.constant 0 : i32
    %dma_start3A_22 = tpu.memref_slice %arg3[%dma_start3A_20, %dma_start3A_21] : memref<16384x4xf32, #tpu.memory_space<hbm>> -> memref<16384x4xf32, #tpu.memory_space<hbm>>
    tpu.enqueue_indirect_dma source(%dma_start3A_22 : memref<16384x4xf32, #tpu.memory_space<hbm>>) target(%arg8 : memref<128x4xf32, #tpu.memory_space<vmem>>) offsets(%dma_start3A_19 : memref<128xi32, #tpu.memory_space<vmem>>) semaphore(%arg16 : memref<!tpu.dma_semaphore, #tpu.memory_space<semaphore_mem>>)
    %dma_start3A_23 = arith.constant 3 : i32
    %dma_start3A_24 = arith.constant 0 : i32
    %dma_start3A_25 = tpu.memref_slice %arg5[%dma_start3A_23, %dma_start3A_24] : memref<128x128xi32, #tpu.memory_space<vmem>> -> memref<1x128xi32, #tpu.memory_space<vmem>>
    %dma_start3A_26 = tpu.memref_squeeze %dma_start3A_25 : memref<1x128xi32, #tpu.memory_space<vmem>> -> memref<128xi32, #tpu.memory_space<vmem>>
    %dma_start3A_27 = arith.constant 0 : i32
    %dma_start3A_28 = arith.constant 0 : i32
    %dma_start3A_29 = tpu.memref_slice %arg3[%dma_start3A_27, %dma_start3A_28] : memref<16384x4xf32, #tpu.memory_space<hbm>> -> memref<16384x4xf32, #tpu.memory_space<hbm>>
    tpu.enqueue_indirect_dma source(%dma_start3A_29 : memref<16384x4xf32, #tpu.memory_space<hbm>>) target(%arg9 : memref<128x4xf32, #tpu.memory_space<vmem>>) offsets(%dma_start3A_26 : memref<128xi32, #tpu.memory_space<vmem>>) semaphore(%arg17 : memref<!tpu.dma_semaphore, #tpu.memory_space<semaphore_mem>>)
    %dma_start3A_30 = arith.constant 4 : i32
    %dma_start3A_31 = arith.constant 0 : i32
    %dma_start3A_32 = tpu.memref_slice %arg5[%dma_start3A_30, %dma_start3A_31] : memref<128x128xi32, #tpu.memory_space<vmem>> -> memref<1x128xi32, #tpu.memory_space<vmem>>
    %dma_start3A_33 = tpu.memref_squeeze %dma_start3A_32 : memref<1x128xi32, #tpu.memory_space<vmem>> -> memref<128xi32, #tpu.memory_space<vmem>>
    %dma_start3A_34 = arith.constant 0 : i32
    %dma_start3A_35 = arith.constant 0 : i32
    %dma_start3A_36 = tpu.memref_slice %arg3[%dma_start3A_34, %dma_start3A_35] : memref<16384x4xf32, #tpu.memory_space<hbm>> -> memref<16384x4xf32, #tpu.memory_space<hbm>>
    tpu.enqueue_indirect_dma source(%dma_start3A_36 : memref<16384x4xf32, #tpu.memory_space<hbm>>) target(%arg10 : memref<128x4xf32, #tpu.memory_space<vmem>>) offsets(%dma_start3A_33 : memref<128xi32, #tpu.memory_space<vmem>>) semaphore(%arg18 : memref<!tpu.dma_semaphore, #tpu.memory_space<semaphore_mem>>)
    %dma_start3A_37 = arith.constant 5 : i32
    %dma_start3A_38 = arith.constant 0 : i32
    %dma_start3A_39 = tpu.memref_slice %arg5[%dma_start3A_37, %dma_start3A_38] : memref<128x128xi32, #tpu.memory_space<vmem>> -> memref<1x128xi32, #tpu.memory_space<vmem>>
    %dma_start3A_40 = tpu.memref_squeeze %dma_start3A_39 : memref<1x128xi32, #tpu.memory_space<vmem>> -> memref<128xi32, #tpu.memory_space<vmem>>
    %dma_start3A_41 = arith.constant 0 : i32
    %dma_start3A_42 = arith.constant 0 : i32
    %dma_start3A_43 = tpu.memref_slice %arg3[%dma_start3A_41, %dma_start3A_42] : memref<16384x4xf32, #tpu.memory_space<hbm>> -> memref<16384x4xf32, #tpu.memory_space<hbm>>
    tpu.enqueue_indirect_dma source(%dma_start3A_43 : memref<16384x4xf32, #tpu.memory_space<hbm>>) target(%arg11 : memref<128x4xf32, #tpu.memory_space<vmem>>) offsets(%dma_start3A_40 : memref<128xi32, #tpu.memory_space<vmem>>) semaphore(%arg19 : memref<!tpu.dma_semaphore, #tpu.memory_space<semaphore_mem>>)
    %dma_start3A_44 = arith.constant 6 : i32
    %dma_start3A_45 = arith.constant 0 : i32
    %dma_start3A_46 = tpu.memref_slice %arg5[%dma_start3A_44, %dma_start3A_45] : memref<128x128xi32, #tpu.memory_space<vmem>> -> memref<1x128xi32, #tpu.memory_space<vmem>>
    %dma_start3A_47 = tpu.memref_squeeze %dma_start3A_46 : memref<1x128xi32, #tpu.memory_space<vmem>> -> memref<128xi32, #tpu.memory_space<vmem>>
    %dma_start3A_48 = arith.constant 0 : i32
    %dma_start3A_49 = arith.constant 0 : i32
    %dma_start3A_50 = tpu.memref_slice %arg3[%dma_start3A_48, %dma_start3A_49] : memref<16384x4xf32, #tpu.memory_space<hbm>> -> memref<16384x4xf32, #tpu.memory_space<hbm>>
    tpu.enqueue_indirect_dma source(%dma_start3A_50 : memref<16384x4xf32, #tpu.memory_space<hbm>>) target(%arg12 : memref<128x4xf32, #tpu.memory_space<vmem>>) offsets(%dma_start3A_47 : memref<128xi32, #tpu.memory_space<vmem>>) semaphore(%arg20 : memref<!tpu.dma_semaphore, #tpu.memory_space<semaphore_mem>>)
    %dma_start3A_51 = arith.constant 7 : i32
    %dma_start3A_52 = arith.constant 0 : i32
    %dma_start3A_53 = tpu.memref_slice %arg5[%dma_start3A_51, %dma_start3A_52] : memref<128x128xi32, #tpu.memory_space<vmem>> -> memref<1x128xi32, #tpu.memory_space<vmem>>
    %dma_start3A_54 = tpu.memref_squeeze %dma_start3A_53 : memref<1x128xi32, #tpu.memory_space<vmem>> -> memref<128xi32, #tpu.memory_space<vmem>>
    %dma_start3A_55 = arith.constant 0 : i32
    %dma_start3A_56 = arith.constant 0 : i32
    %dma_start3A_57 = tpu.memref_slice %arg3[%dma_start3A_55, %dma_start3A_56] : memref<16384x4xf32, #tpu.memory_space<hbm>> -> memref<16384x4xf32, #tpu.memory_space<hbm>>
    tpu.enqueue_indirect_dma source(%dma_start3A_57 : memref<16384x4xf32, #tpu.memory_space<hbm>>) target(%arg13 : memref<128x4xf32, #tpu.memory_space<vmem>>) offsets(%dma_start3A_54 : memref<128xi32, #tpu.memory_space<vmem>>) semaphore(%arg21 : memref<!tpu.dma_semaphore, #tpu.memory_space<semaphore_mem>>)
    %scan3A = arith.constant 0 : i32
    %scan3A_58 = arith.constant 0 : i32
    %scan3A_59 = arith.constant 16 : i32
    %scan3A_60 = arith.addi %scan3A_58, %scan3A_59 : i32
    %scan3A_61 = arith.constant 1 : i32
    %scan3A_62 = scf.for %scan3A_64 = %scan3A_58 to %scan3A_60 step %scan3A_61 iter_args(%scan3A_65 = %scan3A) -> (i32)  : i32 {
      %mul3A_66 = arith.constant 8 : i32
      %mul3A_67 = arith.muli %scan3A_64, %mul3A_66 : i32
      %add3A_68 = arith.constant 0 : i32
      %add3A_69 = arith.addi %mul3A_67, %add3A_68 : i32
      %dma_wait3A = arith.constant 0 : i32
      %dma_wait3A_70 = tpu.memref_slice %arg5[%add3A_69, %dma_wait3A] : memref<128x128xi32, #tpu.memory_space<vmem>> -> memref<1x128xi32, #tpu.memory_space<vmem>>
      %dma_wait3A_71 = tpu.memref_squeeze %dma_wait3A_70 : memref<1x128xi32, #tpu.memory_space<vmem>> -> memref<128xi32, #tpu.memory_space<vmem>>
      %dma_wait3A_72 = arith.constant 0 : i32
      %dma_wait3A_73 = arith.constant 0 : i32
      %dma_wait3A_74 = tpu.memref_slice %arg3[%dma_wait3A_72, %dma_wait3A_73] : memref<16384x4xf32, #tpu.memory_space<hbm>> -> memref<16384x4xf32, #tpu.memory_space<hbm>>
      tpu.wait_indirect_dma semaphore(%arg14 : memref<!tpu.dma_semaphore, #tpu.memory_space<semaphore_mem>>) src(%dma_wait3A_74 : memref<16384x4xf32, #tpu.memory_space<hbm>>) dst(%arg6 : memref<128x4xf32, #tpu.memory_space<vmem>>)
      %add3A_75 = arith.constant 0 : i32
      %add3A_76 = arith.addi %mul3A_67, %add3A_75 : i32
      %add3A_77 = arith.addi %mul3A_2, %add3A_76 : i32
      %mul3A_78 = arith.constant 128 : i32
      %mul3A_79 = arith.muli %add3A_77, %mul3A_78 : i32
      %dma_start3A_80 = arith.constant 0 : i32
      %dma_start3A_81 = tpu.memref_slice %arg4[%mul3A_79, %dma_start3A_80] : memref<524288x4xf32, #tpu.memory_space<hbm>> -> memref<128x4xf32, #tpu.memory_space<hbm>>
      %dma_start3A_82 = arith.constant 0 : i32
      %dma_start3A_83 = tpu.memref_slice %arg4[%mul3A_79, %dma_start3A_82] : memref<524288x4xf32, #tpu.memory_space<hbm>> -> memref<128x4xf32, #tpu.memory_space<hbm>>
      tpu.enqueue_dma source(%arg6 : memref<128x4xf32, #tpu.memory_space<vmem>>) target(%dma_start3A_83 : memref<128x4xf32, #tpu.memory_space<hbm>>) target_semaphore(%arg22 : memref<!tpu.dma_semaphore, #tpu.memory_space<semaphore_mem>>)
      %add3A_84 = arith.constant 1 : i32
      %add3A_85 = arith.addi %mul3A_67, %add3A_84 : i32
      %dma_wait3A_86 = arith.constant 0 : i32
      %dma_wait3A_87 = tpu.memref_slice %arg5[%add3A_85, %dma_wait3A_86] : memref<128x128xi32, #tpu.memory_space<vmem>> -> memref<1x128xi32, #tpu.memory_space<vmem>>
      %dma_wait3A_88 = tpu.memref_squeeze %dma_wait3A_87 : memref<1x128xi32, #tpu.memory_space<vmem>> -> memref<128xi32, #tpu.memory_space<vmem>>
      %dma_wait3A_89 = arith.constant 0 : i32
      %dma_wait3A_90 = arith.constant 0 : i32
      %dma_wait3A_91 = tpu.memref_slice %arg3[%dma_wait3A_89, %dma_wait3A_90] : memref<16384x4xf32, #tpu.memory_space<hbm>> -> memref<16384x4xf32, #tpu.memory_space<hbm>>
      tpu.wait_indirect_dma semaphore(%arg15 : memref<!tpu.dma_semaphore, #tpu.memory_space<semaphore_mem>>) src(%dma_wait3A_91 : memref<16384x4xf32, #tpu.memory_space<hbm>>) dst(%arg7 : memref<128x4xf32, #tpu.memory_space<vmem>>)
      %add3A_92 = arith.constant 1 : i32
      %add3A_93 = arith.addi %mul3A_67, %add3A_92 : i32
      %add3A_94 = arith.addi %mul3A_2, %add3A_93 : i32
      %mul3A_95 = arith.constant 128 : i32
      %mul3A_96 = arith.muli %add3A_94, %mul3A_95 : i32
      %dma_start3A_97 = arith.constant 0 : i32
      %dma_start3A_98 = tpu.memref_slice %arg4[%mul3A_96, %dma_start3A_97] : memref<524288x4xf32, #tpu.memory_space<hbm>> -> memref<128x4xf32, #tpu.memory_space<hbm>>
      %dma_start3A_99 = arith.constant 0 : i32
      %dma_start3A_100 = tpu.memref_slice %arg4[%mul3A_96, %dma_start3A_99] : memref<524288x4xf32, #tpu.memory_space<hbm>> -> memref<128x4xf32, #tpu.memory_space<hbm>>
      tpu.enqueue_dma source(%arg7 : memref<128x4xf32, #tpu.memory_space<vmem>>) target(%dma_start3A_100 : memref<128x4xf32, #tpu.memory_space<hbm>>) target_semaphore(%arg23 : memref<!tpu.dma_semaphore, #tpu.memory_space<semaphore_mem>>)
      %add3A_101 = arith.constant 2 : i32
      %add3A_102 = arith.addi %mul3A_67, %add3A_101 : i32
      %dma_wait3A_103 = arith.constant 0 : i32
      %dma_wait3A_104 = tpu.memref_slice %arg5[%add3A_102, %dma_wait3A_103] : memref<128x128xi32, #tpu.memory_space<vmem>> -> memref<1x128xi32, #tpu.memory_space<vmem>>
      %dma_wait3A_105 = tpu.memref_squeeze %dma_wait3A_104 : memref<1x128xi32, #tpu.memory_space<vmem>> -> memref<128xi32, #tpu.memory_space<vmem>>
      %dma_wait3A_106 = arith.constant 0 : i32
      %dma_wait3A_107 = arith.constant 0 : i32
      %dma_wait3A_108 = tpu.memref_slice %arg3[%dma_wait3A_106, %dma_wait3A_107] : memref<16384x4xf32, #tpu.memory_space<hbm>> -> memref<16384x4xf32, #tpu.memory_space<hbm>>
      tpu.wait_indirect_dma semaphore(%arg16 : memref<!tpu.dma_semaphore, #tpu.memory_space<semaphore_mem>>) src(%dma_wait3A_108 : memref<16384x4xf32, #tpu.memory_space<hbm>>) dst(%arg8 : memref<128x4xf32, #tpu.memory_space<vmem>>)
      %add3A_109 = arith.constant 2 : i32
      %add3A_110 = arith.addi %mul3A_67, %add3A_109 : i32
      %add3A_111 = arith.addi %mul3A_2, %add3A_110 : i32
      %mul3A_112 = arith.constant 128 : i32
      %mul3A_113 = arith.muli %add3A_111, %mul3A_112 : i32
      %dma_start3A_114 = arith.constant 0 : i32
      %dma_start3A_115 = tpu.memref_slice %arg4[%mul3A_113, %dma_start3A_114] : memref<524288x4xf32, #tpu.memory_space<hbm>> -> memref<128x4xf32, #tpu.memory_space<hbm>>
      %dma_start3A_116 = arith.constant 0 : i32
      %dma_start3A_117 = tpu.memref_slice %arg4[%mul3A_113, %dma_start3A_116] : memref<524288x4xf32, #tpu.memory_space<hbm>> -> memref<128x4xf32, #tpu.memory_space<hbm>>
      tpu.enqueue_dma source(%arg8 : memref<128x4xf32, #tpu.memory_space<vmem>>) target(%dma_start3A_117 : memref<128x4xf32, #tpu.memory_space<hbm>>) target_semaphore(%arg24 : memref<!tpu.dma_semaphore, #tpu.memory_space<semaphore_mem>>)
      %add3A_118 = arith.constant 3 : i32
      %add3A_119 = arith.addi %mul3A_67, %add3A_118 : i32
      %dma_wait3A_120 = arith.constant 0 : i32
      %dma_wait3A_121 = tpu.memref_slice %arg5[%add3A_119, %dma_wait3A_120] : memref<128x128xi32, #tpu.memory_space<vmem>> -> memref<1x128xi32, #tpu.memory_space<vmem>>
      %dma_wait3A_122 = tpu.memref_squeeze %dma_wait3A_121 : memref<1x128xi32, #tpu.memory_space<vmem>> -> memref<128xi32, #tpu.memory_space<vmem>>
      %dma_wait3A_123 = arith.constant 0 : i32
      %dma_wait3A_124 = arith.constant 0 : i32
      %dma_wait3A_125 = tpu.memref_slice %arg3[%dma_wait3A_123, %dma_wait3A_124] : memref<16384x4xf32, #tpu.memory_space<hbm>> -> memref<16384x4xf32, #tpu.memory_space<hbm>>
      tpu.wait_indirect_dma semaphore(%arg17 : memref<!tpu.dma_semaphore, #tpu.memory_space<semaphore_mem>>) src(%dma_wait3A_125 : memref<16384x4xf32, #tpu.memory_space<hbm>>) dst(%arg9 : memref<128x4xf32, #tpu.memory_space<vmem>>)
      %add3A_126 = arith.constant 3 : i32
      %add3A_127 = arith.addi %mul3A_67, %add3A_126 : i32
      %add3A_128 = arith.addi %mul3A_2, %add3A_127 : i32
      %mul3A_129 = arith.constant 128 : i32
      %mul3A_130 = arith.muli %add3A_128, %mul3A_129 : i32
      %dma_start3A_131 = arith.constant 0 : i32
      %dma_start3A_132 = tpu.memref_slice %arg4[%mul3A_130, %dma_start3A_131] : memref<524288x4xf32, #tpu.memory_space<hbm>> -> memref<128x4xf32, #tpu.memory_space<hbm>>
      %dma_start3A_133 = arith.constant 0 : i32
      %dma_start3A_134 = tpu.memref_slice %arg4[%mul3A_130, %dma_start3A_133] : memref<524288x4xf32, #tpu.memory_space<hbm>> -> memref<128x4xf32, #tpu.memory_space<hbm>>
      tpu.enqueue_dma source(%arg9 : memref<128x4xf32, #tpu.memory_space<vmem>>) target(%dma_start3A_134 : memref<128x4xf32, #tpu.memory_space<hbm>>) target_semaphore(%arg25 : memref<!tpu.dma_semaphore, #tpu.memory_space<semaphore_mem>>)
      %add3A_135 = arith.constant 4 : i32
      %add3A_136 = arith.addi %mul3A_67, %add3A_135 : i32
      %dma_wait3A_137 = arith.constant 0 : i32
      %dma_wait3A_138 = tpu.memref_slice %arg5[%add3A_136, %dma_wait3A_137] : memref<128x128xi32, #tpu.memory_space<vmem>> -> memref<1x128xi32, #tpu.memory_space<vmem>>
      %dma_wait3A_139 = tpu.memref_squeeze %dma_wait3A_138 : memref<1x128xi32, #tpu.memory_space<vmem>> -> memref<128xi32, #tpu.memory_space<vmem>>
      %dma_wait3A_140 = arith.constant 0 : i32
      %dma_wait3A_141 = arith.constant 0 : i32
      %dma_wait3A_142 = tpu.memref_slice %arg3[%dma_wait3A_140, %dma_wait3A_141] : memref<16384x4xf32, #tpu.memory_space<hbm>> -> memref<16384x4xf32, #tpu.memory_space<hbm>>
      tpu.wait_indirect_dma semaphore(%arg18 : memref<!tpu.dma_semaphore, #tpu.memory_space<semaphore_mem>>) src(%dma_wait3A_142 : memref<16384x4xf32, #tpu.memory_space<hbm>>) dst(%arg10 : memref<128x4xf32, #tpu.memory_space<vmem>>)
      %add3A_143 = arith.constant 4 : i32
      %add3A_144 = arith.addi %mul3A_67, %add3A_143 : i32
      %add3A_145 = arith.addi %mul3A_2, %add3A_144 : i32
      %mul3A_146 = arith.constant 128 : i32
      %mul3A_147 = arith.muli %add3A_145, %mul3A_146 : i32
      %dma_start3A_148 = arith.constant 0 : i32
      %dma_start3A_149 = tpu.memref_slice %arg4[%mul3A_147, %dma_start3A_148] : memref<524288x4xf32, #tpu.memory_space<hbm>> -> memref<128x4xf32, #tpu.memory_space<hbm>>
      %dma_start3A_150 = arith.constant 0 : i32
      %dma_start3A_151 = tpu.memref_slice %arg4[%mul3A_147, %dma_start3A_150] : memref<524288x4xf32, #tpu.memory_space<hbm>> -> memref<128x4xf32, #tpu.memory_space<hbm>>
      tpu.enqueue_dma source(%arg10 : memref<128x4xf32, #tpu.memory_space<vmem>>) target(%dma_start3A_151 : memref<128x4xf32, #tpu.memory_space<hbm>>) target_semaphore(%arg26 : memref<!tpu.dma_semaphore, #tpu.memory_space<semaphore_mem>>)
      %add3A_152 = arith.constant 5 : i32
      %add3A_153 = arith.addi %mul3A_67, %add3A_152 : i32
      %dma_wait3A_154 = arith.constant 0 : i32
      %dma_wait3A_155 = tpu.memref_slice %arg5[%add3A_153, %dma_wait3A_154] : memref<128x128xi32, #tpu.memory_space<vmem>> -> memref<1x128xi32, #tpu.memory_space<vmem>>
      %dma_wait3A_156 = tpu.memref_squeeze %dma_wait3A_155 : memref<1x128xi32, #tpu.memory_space<vmem>> -> memref<128xi32, #tpu.memory_space<vmem>>
      %dma_wait3A_157 = arith.constant 0 : i32
      %dma_wait3A_158 = arith.constant 0 : i32
      %dma_wait3A_159 = tpu.memref_slice %arg3[%dma_wait3A_157, %dma_wait3A_158] : memref<16384x4xf32, #tpu.memory_space<hbm>> -> memref<16384x4xf32, #tpu.memory_space<hbm>>
      tpu.wait_indirect_dma semaphore(%arg19 : memref<!tpu.dma_semaphore, #tpu.memory_space<semaphore_mem>>) src(%dma_wait3A_159 : memref<16384x4xf32, #tpu.memory_space<hbm>>) dst(%arg11 : memref<128x4xf32, #tpu.memory_space<vmem>>)
      %add3A_160 = arith.constant 5 : i32
      %add3A_161 = arith.addi %mul3A_67, %add3A_160 : i32
      %add3A_162 = arith.addi %mul3A_2, %add3A_161 : i32
      %mul3A_163 = arith.constant 128 : i32
      %mul3A_164 = arith.muli %add3A_162, %mul3A_163 : i32
      %dma_start3A_165 = arith.constant 0 : i32
      %dma_start3A_166 = tpu.memref_slice %arg4[%mul3A_164, %dma_start3A_165] : memref<524288x4xf32, #tpu.memory_space<hbm>> -> memref<128x4xf32, #tpu.memory_space<hbm>>
      %dma_start3A_167 = arith.constant 0 : i32
      %dma_start3A_168 = tpu.memref_slice %arg4[%mul3A_164, %dma_start3A_167] : memref<524288x4xf32, #tpu.memory_space<hbm>> -> memref<128x4xf32, #tpu.memory_space<hbm>>
      tpu.enqueue_dma source(%arg11 : memref<128x4xf32, #tpu.memory_space<vmem>>) target(%dma_start3A_168 : memref<128x4xf32, #tpu.memory_space<hbm>>) target_semaphore(%arg27 : memref<!tpu.dma_semaphore, #tpu.memory_space<semaphore_mem>>)
      %add3A_169 = arith.constant 6 : i32
      %add3A_170 = arith.addi %mul3A_67, %add3A_169 : i32
      %dma_wait3A_171 = arith.constant 0 : i32
      %dma_wait3A_172 = tpu.memref_slice %arg5[%add3A_170, %dma_wait3A_171] : memref<128x128xi32, #tpu.memory_space<vmem>> -> memref<1x128xi32, #tpu.memory_space<vmem>>
      %dma_wait3A_173 = tpu.memref_squeeze %dma_wait3A_172 : memref<1x128xi32, #tpu.memory_space<vmem>> -> memref<128xi32, #tpu.memory_space<vmem>>
      %dma_wait3A_174 = arith.constant 0 : i32
      %dma_wait3A_175 = arith.constant 0 : i32
      %dma_wait3A_176 = tpu.memref_slice %arg3[%dma_wait3A_174, %dma_wait3A_175] : memref<16384x4xf32, #tpu.memory_space<hbm>> -> memref<16384x4xf32, #tpu.memory_space<hbm>>
      tpu.wait_indirect_dma semaphore(%arg20 : memref<!tpu.dma_semaphore, #tpu.memory_space<semaphore_mem>>) src(%dma_wait3A_176 : memref<16384x4xf32, #tpu.memory_space<hbm>>) dst(%arg12 : memref<128x4xf32, #tpu.memory_space<vmem>>)
      %add3A_177 = arith.constant 6 : i32
      %add3A_178 = arith.addi %mul3A_67, %add3A_177 : i32
      %add3A_179 = arith.addi %mul3A_2, %add3A_178 : i32
      %mul3A_180 = arith.constant 128 : i32
      %mul3A_181 = arith.muli %add3A_179, %mul3A_180 : i32
      %dma_start3A_182 = arith.constant 0 : i32
      %dma_start3A_183 = tpu.memref_slice %arg4[%mul3A_181, %dma_start3A_182] : memref<524288x4xf32, #tpu.memory_space<hbm>> -> memref<128x4xf32, #tpu.memory_space<hbm>>
      %dma_start3A_184 = arith.constant 0 : i32
      %dma_start3A_185 = tpu.memref_slice %arg4[%mul3A_181, %dma_start3A_184] : memref<524288x4xf32, #tpu.memory_space<hbm>> -> memref<128x4xf32, #tpu.memory_space<hbm>>
      tpu.enqueue_dma source(%arg12 : memref<128x4xf32, #tpu.memory_space<vmem>>) target(%dma_start3A_185 : memref<128x4xf32, #tpu.memory_space<hbm>>) target_semaphore(%arg28 : memref<!tpu.dma_semaphore, #tpu.memory_space<semaphore_mem>>)
      %add3A_186 = arith.constant 7 : i32
      %add3A_187 = arith.addi %mul3A_67, %add3A_186 : i32
      %dma_wait3A_188 = arith.constant 0 : i32
      %dma_wait3A_189 = tpu.memref_slice %arg5[%add3A_187, %dma_wait3A_188] : memref<128x128xi32, #tpu.memory_space<vmem>> -> memref<1x128xi32, #tpu.memory_space<vmem>>
      %dma_wait3A_190 = tpu.memref_squeeze %dma_wait3A_189 : memref<1x128xi32, #tpu.memory_space<vmem>> -> memref<128xi32, #tpu.memory_space<vmem>>
      %dma_wait3A_191 = arith.constant 0 : i32
      %dma_wait3A_192 = arith.constant 0 : i32
      %dma_wait3A_193 = tpu.memref_slice %arg3[%dma_wait3A_191, %dma_wait3A_192] : memref<16384x4xf32, #tpu.memory_space<hbm>> -> memref<16384x4xf32, #tpu.memory_space<hbm>>
      tpu.wait_indirect_dma semaphore(%arg21 : memref<!tpu.dma_semaphore, #tpu.memory_space<semaphore_mem>>) src(%dma_wait3A_193 : memref<16384x4xf32, #tpu.memory_space<hbm>>) dst(%arg13 : memref<128x4xf32, #tpu.memory_space<vmem>>)
      %add3A_194 = arith.constant 7 : i32
      %add3A_195 = arith.addi %mul3A_67, %add3A_194 : i32
      %add3A_196 = arith.addi %mul3A_2, %add3A_195 : i32
      %mul3A_197 = arith.constant 128 : i32
      %mul3A_198 = arith.muli %add3A_196, %mul3A_197 : i32
      %dma_start3A_199 = arith.constant 0 : i32
      %dma_start3A_200 = tpu.memref_slice %arg4[%mul3A_198, %dma_start3A_199] : memref<524288x4xf32, #tpu.memory_space<hbm>> -> memref<128x4xf32, #tpu.memory_space<hbm>>
      %dma_start3A_201 = arith.constant 0 : i32
      %dma_start3A_202 = tpu.memref_slice %arg4[%mul3A_198, %dma_start3A_201] : memref<524288x4xf32, #tpu.memory_space<hbm>> -> memref<128x4xf32, #tpu.memory_space<hbm>>
      tpu.enqueue_dma source(%arg13 : memref<128x4xf32, #tpu.memory_space<vmem>>) target(%dma_start3A_202 : memref<128x4xf32, #tpu.memory_space<hbm>>) target_semaphore(%arg29 : memref<!tpu.dma_semaphore, #tpu.memory_space<semaphore_mem>>)
      %add3A_203 = arith.constant 0 : i32
      %add3A_204 = arith.addi %mul3A_67, %add3A_203 : i32
      %add3A_205 = arith.addi %mul3A_2, %add3A_204 : i32
      %mul3A_206 = arith.constant 128 : i32
      %mul3A_207 = arith.muli %add3A_205, %mul3A_206 : i32
      %dma_wait3A_208 = arith.constant 0 : i32
      %dma_wait3A_209 = tpu.memref_slice %arg4[%mul3A_207, %dma_wait3A_208] : memref<524288x4xf32, #tpu.memory_space<hbm>> -> memref<128x4xf32, #tpu.memory_space<hbm>>
      %dma_wait3A_210 = arith.constant 0 : i32
      %dma_wait3A_211 = tpu.memref_slice %arg4[%mul3A_207, %dma_wait3A_210] : memref<524288x4xf32, #tpu.memory_space<hbm>> -> memref<128x4xf32, #tpu.memory_space<hbm>>
      tpu.wait_dma2 semaphore(%arg22 : memref<!tpu.dma_semaphore, #tpu.memory_space<semaphore_mem>>) src(%arg6 : memref<128x4xf32, #tpu.memory_space<vmem>>) dst(%dma_wait3A_211 : memref<128x4xf32, #tpu.memory_space<hbm>>)
      %add3A_212 = arith.constant 0 : i32
      %add3A_213 = arith.addi %mul3A_67, %add3A_212 : i32
      %add3A_214 = arith.constant 8 : i32
      %add3A_215 = arith.addi %add3A_213, %add3A_214 : i32
      %lt3A = arith.constant 128 : i32
      %lt3A_216 = arith.cmpi slt, %add3A_215, %lt3A : i32
      %convert_element_type3A = arith.extui %lt3A_216 : i1 to i32
      %cond3A = arith.constant 0 : i32
      %cond3A_217 = arith.cmpi ne, %convert_element_type3A, %cond3A : i32
      scf.if %cond3A_217 {
        %add3A_345 = arith.constant 0 : i32
        %add3A_346 = arith.addi %mul3A_67, %add3A_345 : i32
        %add3A_347 = arith.constant 8 : i32
        %add3A_348 = arith.addi %add3A_346, %add3A_347 : i32
        %dma_start3A_349 = arith.constant 0 : i32
        %dma_start3A_350 = tpu.memref_slice %arg5[%add3A_348, %dma_start3A_349] : memref<128x128xi32, #tpu.memory_space<vmem>> -> memref<1x128xi32, #tpu.memory_space<vmem>>
        %dma_start3A_351 = tpu.memref_squeeze %dma_start3A_350 : memref<1x128xi32, #tpu.memory_space<vmem>> -> memref<128xi32, #tpu.memory_space<vmem>>
        %dma_start3A_352 = arith.constant 0 : i32
        %dma_start3A_353 = arith.constant 0 : i32
        %dma_start3A_354 = tpu.memref_slice %arg3[%dma_start3A_352, %dma_start3A_353] : memref<16384x4xf32, #tpu.memory_space<hbm>> -> memref<16384x4xf32, #tpu.memory_space<hbm>>
        tpu.enqueue_indirect_dma source(%dma_start3A_354 : memref<16384x4xf32, #tpu.memory_space<hbm>>) target(%arg6 : memref<128x4xf32, #tpu.memory_space<vmem>>) offsets(%dma_start3A_351 : memref<128xi32, #tpu.memory_space<vmem>>) semaphore(%arg14 : memref<!tpu.dma_semaphore, #tpu.memory_space<semaphore_mem>>)
      } else {
      }
      %add3A_218 = arith.constant 1 : i32
      %add3A_219 = arith.addi %mul3A_67, %add3A_218 : i32
      %add3A_220 = arith.addi %mul3A_2, %add3A_219 : i32
      %mul3A_221 = arith.constant 128 : i32
      %mul3A_222 = arith.muli %add3A_220, %mul3A_221 : i32
      %dma_wait3A_223 = arith.constant 0 : i32
      %dma_wait3A_224 = tpu.memref_slice %arg4[%mul3A_222, %dma_wait3A_223] : memref<524288x4xf32, #tpu.memory_space<hbm>> -> memref<128x4xf32, #tpu.memory_space<hbm>>
      %dma_wait3A_225 = arith.constant 0 : i32
      %dma_wait3A_226 = tpu.memref_slice %arg4[%mul3A_222, %dma_wait3A_225] : memref<524288x4xf32, #tpu.memory_space<hbm>> -> memref<128x4xf32, #tpu.memory_space<hbm>>
      tpu.wait_dma2 semaphore(%arg23 : memref<!tpu.dma_semaphore, #tpu.memory_space<semaphore_mem>>) src(%arg7 : memref<128x4xf32, #tpu.memory_space<vmem>>) dst(%dma_wait3A_226 : memref<128x4xf32, #tpu.memory_space<hbm>>)
      %add3A_227 = arith.constant 1 : i32
      %add3A_228 = arith.addi %mul3A_67, %add3A_227 : i32
      %add3A_229 = arith.constant 8 : i32
      %add3A_230 = arith.addi %add3A_228, %add3A_229 : i32
      %lt3A_231 = arith.constant 128 : i32
      %lt3A_232 = arith.cmpi slt, %add3A_230, %lt3A_231 : i32
      %convert_element_type3A_233 = arith.extui %lt3A_232 : i1 to i32
      %cond3A_234 = arith.constant 0 : i32
      %cond3A_235 = arith.cmpi ne, %convert_element_type3A_233, %cond3A_234 : i32
      scf.if %cond3A_235 {
        %add3A_345 = arith.constant 1 : i32
        %add3A_346 = arith.addi %mul3A_67, %add3A_345 : i32
        %add3A_347 = arith.constant 8 : i32
        %add3A_348 = arith.addi %add3A_346, %add3A_347 : i32
        %dma_start3A_349 = arith.constant 0 : i32
        %dma_start3A_350 = tpu.memref_slice %arg5[%add3A_348, %dma_start3A_349] : memref<128x128xi32, #tpu.memory_space<vmem>> -> memref<1x128xi32, #tpu.memory_space<vmem>>
        %dma_start3A_351 = tpu.memref_squeeze %dma_start3A_350 : memref<1x128xi32, #tpu.memory_space<vmem>> -> memref<128xi32, #tpu.memory_space<vmem>>
        %dma_start3A_352 = arith.constant 0 : i32
        %dma_start3A_353 = arith.constant 0 : i32
        %dma_start3A_354 = tpu.memref_slice %arg3[%dma_start3A_352, %dma_start3A_353] : memref<16384x4xf32, #tpu.memory_space<hbm>> -> memref<16384x4xf32, #tpu.memory_space<hbm>>
        tpu.enqueue_indirect_dma source(%dma_start3A_354 : memref<16384x4xf32, #tpu.memory_space<hbm>>) target(%arg7 : memref<128x4xf32, #tpu.memory_space<vmem>>) offsets(%dma_start3A_351 : memref<128xi32, #tpu.memory_space<vmem>>) semaphore(%arg15 : memref<!tpu.dma_semaphore, #tpu.memory_space<semaphore_mem>>)
      } else {
      }
      %add3A_236 = arith.constant 2 : i32
      %add3A_237 = arith.addi %mul3A_67, %add3A_236 : i32
      %add3A_238 = arith.addi %mul3A_2, %add3A_237 : i32
      %mul3A_239 = arith.constant 128 : i32
      %mul3A_240 = arith.muli %add3A_238, %mul3A_239 : i32
      %dma_wait3A_241 = arith.constant 0 : i32
      %dma_wait3A_242 = tpu.memref_slice %arg4[%mul3A_240, %dma_wait3A_241] : memref<524288x4xf32, #tpu.memory_space<hbm>> -> memref<128x4xf32, #tpu.memory_space<hbm>>
      %dma_wait3A_243 = arith.constant 0 : i32
      %dma_wait3A_244 = tpu.memref_slice %arg4[%mul3A_240, %dma_wait3A_243] : memref<524288x4xf32, #tpu.memory_space<hbm>> -> memref<128x4xf32, #tpu.memory_space<hbm>>
      tpu.wait_dma2 semaphore(%arg24 : memref<!tpu.dma_semaphore, #tpu.memory_space<semaphore_mem>>) src(%arg8 : memref<128x4xf32, #tpu.memory_space<vmem>>) dst(%dma_wait3A_244 : memref<128x4xf32, #tpu.memory_space<hbm>>)
      %add3A_245 = arith.constant 2 : i32
      %add3A_246 = arith.addi %mul3A_67, %add3A_245 : i32
      %add3A_247 = arith.constant 8 : i32
      %add3A_248 = arith.addi %add3A_246, %add3A_247 : i32
      %lt3A_249 = arith.constant 128 : i32
      %lt3A_250 = arith.cmpi slt, %add3A_248, %lt3A_249 : i32
      %convert_element_type3A_251 = arith.extui %lt3A_250 : i1 to i32
      %cond3A_252 = arith.constant 0 : i32
      %cond3A_253 = arith.cmpi ne, %convert_element_type3A_251, %cond3A_252 : i32
      scf.if %cond3A_253 {
        %add3A_345 = arith.constant 2 : i32
        %add3A_346 = arith.addi %mul3A_67, %add3A_345 : i32
        %add3A_347 = arith.constant 8 : i32
        %add3A_348 = arith.addi %add3A_346, %add3A_347 : i32
        %dma_start3A_349 = arith.constant 0 : i32
        %dma_start3A_350 = tpu.memref_slice %arg5[%add3A_348, %dma_start3A_349] : memref<128x128xi32, #tpu.memory_space<vmem>> -> memref<1x128xi32, #tpu.memory_space<vmem>>
        %dma_start3A_351 = tpu.memref_squeeze %dma_start3A_350 : memref<1x128xi32, #tpu.memory_space<vmem>> -> memref<128xi32, #tpu.memory_space<vmem>>
        %dma_start3A_352 = arith.constant 0 : i32
        %dma_start3A_353 = arith.constant 0 : i32
        %dma_start3A_354 = tpu.memref_slice %arg3[%dma_start3A_352, %dma_start3A_353] : memref<16384x4xf32, #tpu.memory_space<hbm>> -> memref<16384x4xf32, #tpu.memory_space<hbm>>
        tpu.enqueue_indirect_dma source(%dma_start3A_354 : memref<16384x4xf32, #tpu.memory_space<hbm>>) target(%arg8 : memref<128x4xf32, #tpu.memory_space<vmem>>) offsets(%dma_start3A_351 : memref<128xi32, #tpu.memory_space<vmem>>) semaphore(%arg16 : memref<!tpu.dma_semaphore, #tpu.memory_space<semaphore_mem>>)
      } else {
      }
      %add3A_254 = arith.constant 3 : i32
      %add3A_255 = arith.addi %mul3A_67, %add3A_254 : i32
      %add3A_256 = arith.addi %mul3A_2, %add3A_255 : i32
      %mul3A_257 = arith.constant 128 : i32
      %mul3A_258 = arith.muli %add3A_256, %mul3A_257 : i32
      %dma_wait3A_259 = arith.constant 0 : i32
      %dma_wait3A_260 = tpu.memref_slice %arg4[%mul3A_258, %dma_wait3A_259] : memref<524288x4xf32, #tpu.memory_space<hbm>> -> memref<128x4xf32, #tpu.memory_space<hbm>>
      %dma_wait3A_261 = arith.constant 0 : i32
      %dma_wait3A_262 = tpu.memref_slice %arg4[%mul3A_258, %dma_wait3A_261] : memref<524288x4xf32, #tpu.memory_space<hbm>> -> memref<128x4xf32, #tpu.memory_space<hbm>>
      tpu.wait_dma2 semaphore(%arg25 : memref<!tpu.dma_semaphore, #tpu.memory_space<semaphore_mem>>) src(%arg9 : memref<128x4xf32, #tpu.memory_space<vmem>>) dst(%dma_wait3A_262 : memref<128x4xf32, #tpu.memory_space<hbm>>)
      %add3A_263 = arith.constant 3 : i32
      %add3A_264 = arith.addi %mul3A_67, %add3A_263 : i32
      %add3A_265 = arith.constant 8 : i32
      %add3A_266 = arith.addi %add3A_264, %add3A_265 : i32
      %lt3A_267 = arith.constant 128 : i32
      %lt3A_268 = arith.cmpi slt, %add3A_266, %lt3A_267 : i32
      %convert_element_type3A_269 = arith.extui %lt3A_268 : i1 to i32
      %cond3A_270 = arith.constant 0 : i32
      %cond3A_271 = arith.cmpi ne, %convert_element_type3A_269, %cond3A_270 : i32
      scf.if %cond3A_271 {
        %add3A_345 = arith.constant 3 : i32
        %add3A_346 = arith.addi %mul3A_67, %add3A_345 : i32
        %add3A_347 = arith.constant 8 : i32
        %add3A_348 = arith.addi %add3A_346, %add3A_347 : i32
        %dma_start3A_349 = arith.constant 0 : i32
        %dma_start3A_350 = tpu.memref_slice %arg5[%add3A_348, %dma_start3A_349] : memref<128x128xi32, #tpu.memory_space<vmem>> -> memref<1x128xi32, #tpu.memory_space<vmem>>
        %dma_start3A_351 = tpu.memref_squeeze %dma_start3A_350 : memref<1x128xi32, #tpu.memory_space<vmem>> -> memref<128xi32, #tpu.memory_space<vmem>>
        %dma_start3A_352 = arith.constant 0 : i32
        %dma_start3A_353 = arith.constant 0 : i32
        %dma_start3A_354 = tpu.memref_slice %arg3[%dma_start3A_352, %dma_start3A_353] : memref<16384x4xf32, #tpu.memory_space<hbm>> -> memref<16384x4xf32, #tpu.memory_space<hbm>>
        tpu.enqueue_indirect_dma source(%dma_start3A_354 : memref<16384x4xf32, #tpu.memory_space<hbm>>) target(%arg9 : memref<128x4xf32, #tpu.memory_space<vmem>>) offsets(%dma_start3A_351 : memref<128xi32, #tpu.memory_space<vmem>>) semaphore(%arg17 : memref<!tpu.dma_semaphore, #tpu.memory_space<semaphore_mem>>)
      } else {
      }
      %add3A_272 = arith.constant 4 : i32
      %add3A_273 = arith.addi %mul3A_67, %add3A_272 : i32
      %add3A_274 = arith.addi %mul3A_2, %add3A_273 : i32
      %mul3A_275 = arith.constant 128 : i32
      %mul3A_276 = arith.muli %add3A_274, %mul3A_275 : i32
      %dma_wait3A_277 = arith.constant 0 : i32
      %dma_wait3A_278 = tpu.memref_slice %arg4[%mul3A_276, %dma_wait3A_277] : memref<524288x4xf32, #tpu.memory_space<hbm>> -> memref<128x4xf32, #tpu.memory_space<hbm>>
      %dma_wait3A_279 = arith.constant 0 : i32
      %dma_wait3A_280 = tpu.memref_slice %arg4[%mul3A_276, %dma_wait3A_279] : memref<524288x4xf32, #tpu.memory_space<hbm>> -> memref<128x4xf32, #tpu.memory_space<hbm>>
      tpu.wait_dma2 semaphore(%arg26 : memref<!tpu.dma_semaphore, #tpu.memory_space<semaphore_mem>>) src(%arg10 : memref<128x4xf32, #tpu.memory_space<vmem>>) dst(%dma_wait3A_280 : memref<128x4xf32, #tpu.memory_space<hbm>>)
      %add3A_281 = arith.constant 4 : i32
      %add3A_282 = arith.addi %mul3A_67, %add3A_281 : i32
      %add3A_283 = arith.constant 8 : i32
      %add3A_284 = arith.addi %add3A_282, %add3A_283 : i32
      %lt3A_285 = arith.constant 128 : i32
      %lt3A_286 = arith.cmpi slt, %add3A_284, %lt3A_285 : i32
      %convert_element_type3A_287 = arith.extui %lt3A_286 : i1 to i32
      %cond3A_288 = arith.constant 0 : i32
      %cond3A_289 = arith.cmpi ne, %convert_element_type3A_287, %cond3A_288 : i32
      scf.if %cond3A_289 {
        %add3A_345 = arith.constant 4 : i32
        %add3A_346 = arith.addi %mul3A_67, %add3A_345 : i32
        %add3A_347 = arith.constant 8 : i32
        %add3A_348 = arith.addi %add3A_346, %add3A_347 : i32
        %dma_start3A_349 = arith.constant 0 : i32
        %dma_start3A_350 = tpu.memref_slice %arg5[%add3A_348, %dma_start3A_349] : memref<128x128xi32, #tpu.memory_space<vmem>> -> memref<1x128xi32, #tpu.memory_space<vmem>>
        %dma_start3A_351 = tpu.memref_squeeze %dma_start3A_350 : memref<1x128xi32, #tpu.memory_space<vmem>> -> memref<128xi32, #tpu.memory_space<vmem>>
        %dma_start3A_352 = arith.constant 0 : i32
        %dma_start3A_353 = arith.constant 0 : i32
        %dma_start3A_354 = tpu.memref_slice %arg3[%dma_start3A_352, %dma_start3A_353] : memref<16384x4xf32, #tpu.memory_space<hbm>> -> memref<16384x4xf32, #tpu.memory_space<hbm>>
        tpu.enqueue_indirect_dma source(%dma_start3A_354 : memref<16384x4xf32, #tpu.memory_space<hbm>>) target(%arg10 : memref<128x4xf32, #tpu.memory_space<vmem>>) offsets(%dma_start3A_351 : memref<128xi32, #tpu.memory_space<vmem>>) semaphore(%arg18 : memref<!tpu.dma_semaphore, #tpu.memory_space<semaphore_mem>>)
      } else {
      }
      %add3A_290 = arith.constant 5 : i32
      %add3A_291 = arith.addi %mul3A_67, %add3A_290 : i32
      %add3A_292 = arith.addi %mul3A_2, %add3A_291 : i32
      %mul3A_293 = arith.constant 128 : i32
      %mul3A_294 = arith.muli %add3A_292, %mul3A_293 : i32
      %dma_wait3A_295 = arith.constant 0 : i32
      %dma_wait3A_296 = tpu.memref_slice %arg4[%mul3A_294, %dma_wait3A_295] : memref<524288x4xf32, #tpu.memory_space<hbm>> -> memref<128x4xf32, #tpu.memory_space<hbm>>
      %dma_wait3A_297 = arith.constant 0 : i32
      %dma_wait3A_298 = tpu.memref_slice %arg4[%mul3A_294, %dma_wait3A_297] : memref<524288x4xf32, #tpu.memory_space<hbm>> -> memref<128x4xf32, #tpu.memory_space<hbm>>
      tpu.wait_dma2 semaphore(%arg27 : memref<!tpu.dma_semaphore, #tpu.memory_space<semaphore_mem>>) src(%arg11 : memref<128x4xf32, #tpu.memory_space<vmem>>) dst(%dma_wait3A_298 : memref<128x4xf32, #tpu.memory_space<hbm>>)
      %add3A_299 = arith.constant 5 : i32
      %add3A_300 = arith.addi %mul3A_67, %add3A_299 : i32
      %add3A_301 = arith.constant 8 : i32
      %add3A_302 = arith.addi %add3A_300, %add3A_301 : i32
      %lt3A_303 = arith.constant 128 : i32
      %lt3A_304 = arith.cmpi slt, %add3A_302, %lt3A_303 : i32
      %convert_element_type3A_305 = arith.extui %lt3A_304 : i1 to i32
      %cond3A_306 = arith.constant 0 : i32
      %cond3A_307 = arith.cmpi ne, %convert_element_type3A_305, %cond3A_306 : i32
      scf.if %cond3A_307 {
        %add3A_345 = arith.constant 5 : i32
        %add3A_346 = arith.addi %mul3A_67, %add3A_345 : i32
        %add3A_347 = arith.constant 8 : i32
        %add3A_348 = arith.addi %add3A_346, %add3A_347 : i32
        %dma_start3A_349 = arith.constant 0 : i32
        %dma_start3A_350 = tpu.memref_slice %arg5[%add3A_348, %dma_start3A_349] : memref<128x128xi32, #tpu.memory_space<vmem>> -> memref<1x128xi32, #tpu.memory_space<vmem>>
        %dma_start3A_351 = tpu.memref_squeeze %dma_start3A_350 : memref<1x128xi32, #tpu.memory_space<vmem>> -> memref<128xi32, #tpu.memory_space<vmem>>
        %dma_start3A_352 = arith.constant 0 : i32
        %dma_start3A_353 = arith.constant 0 : i32
        %dma_start3A_354 = tpu.memref_slice %arg3[%dma_start3A_352, %dma_start3A_353] : memref<16384x4xf32, #tpu.memory_space<hbm>> -> memref<16384x4xf32, #tpu.memory_space<hbm>>
        tpu.enqueue_indirect_dma source(%dma_start3A_354 : memref<16384x4xf32, #tpu.memory_space<hbm>>) target(%arg11 : memref<128x4xf32, #tpu.memory_space<vmem>>) offsets(%dma_start3A_351 : memref<128xi32, #tpu.memory_space<vmem>>) semaphore(%arg19 : memref<!tpu.dma_semaphore, #tpu.memory_space<semaphore_mem>>)
      } else {
      }
      %add3A_308 = arith.constant 6 : i32
      %add3A_309 = arith.addi %mul3A_67, %add3A_308 : i32
      %add3A_310 = arith.addi %mul3A_2, %add3A_309 : i32
      %mul3A_311 = arith.constant 128 : i32
      %mul3A_312 = arith.muli %add3A_310, %mul3A_311 : i32
      %dma_wait3A_313 = arith.constant 0 : i32
      %dma_wait3A_314 = tpu.memref_slice %arg4[%mul3A_312, %dma_wait3A_313] : memref<524288x4xf32, #tpu.memory_space<hbm>> -> memref<128x4xf32, #tpu.memory_space<hbm>>
      %dma_wait3A_315 = arith.constant 0 : i32
      %dma_wait3A_316 = tpu.memref_slice %arg4[%mul3A_312, %dma_wait3A_315] : memref<524288x4xf32, #tpu.memory_space<hbm>> -> memref<128x4xf32, #tpu.memory_space<hbm>>
      tpu.wait_dma2 semaphore(%arg28 : memref<!tpu.dma_semaphore, #tpu.memory_space<semaphore_mem>>) src(%arg12 : memref<128x4xf32, #tpu.memory_space<vmem>>) dst(%dma_wait3A_316 : memref<128x4xf32, #tpu.memory_space<hbm>>)
      %add3A_317 = arith.constant 6 : i32
      %add3A_318 = arith.addi %mul3A_67, %add3A_317 : i32
      %add3A_319 = arith.constant 8 : i32
      %add3A_320 = arith.addi %add3A_318, %add3A_319 : i32
      %lt3A_321 = arith.constant 128 : i32
      %lt3A_322 = arith.cmpi slt, %add3A_320, %lt3A_321 : i32
      %convert_element_type3A_323 = arith.extui %lt3A_322 : i1 to i32
      %cond3A_324 = arith.constant 0 : i32
      %cond3A_325 = arith.cmpi ne, %convert_element_type3A_323, %cond3A_324 : i32
      scf.if %cond3A_325 {
        %add3A_345 = arith.constant 6 : i32
        %add3A_346 = arith.addi %mul3A_67, %add3A_345 : i32
        %add3A_347 = arith.constant 8 : i32
        %add3A_348 = arith.addi %add3A_346, %add3A_347 : i32
        %dma_start3A_349 = arith.constant 0 : i32
        %dma_start3A_350 = tpu.memref_slice %arg5[%add3A_348, %dma_start3A_349] : memref<128x128xi32, #tpu.memory_space<vmem>> -> memref<1x128xi32, #tpu.memory_space<vmem>>
        %dma_start3A_351 = tpu.memref_squeeze %dma_start3A_350 : memref<1x128xi32, #tpu.memory_space<vmem>> -> memref<128xi32, #tpu.memory_space<vmem>>
        %dma_start3A_352 = arith.constant 0 : i32
        %dma_start3A_353 = arith.constant 0 : i32
        %dma_start3A_354 = tpu.memref_slice %arg3[%dma_start3A_352, %dma_start3A_353] : memref<16384x4xf32, #tpu.memory_space<hbm>> -> memref<16384x4xf32, #tpu.memory_space<hbm>>
        tpu.enqueue_indirect_dma source(%dma_start3A_354 : memref<16384x4xf32, #tpu.memory_space<hbm>>) target(%arg12 : memref<128x4xf32, #tpu.memory_space<vmem>>) offsets(%dma_start3A_351 : memref<128xi32, #tpu.memory_space<vmem>>) semaphore(%arg20 : memref<!tpu.dma_semaphore, #tpu.memory_space<semaphore_mem>>)
      } else {
      }
      %add3A_326 = arith.constant 7 : i32
      %add3A_327 = arith.addi %mul3A_67, %add3A_326 : i32
      %add3A_328 = arith.addi %mul3A_2, %add3A_327 : i32
      %mul3A_329 = arith.constant 128 : i32
      %mul3A_330 = arith.muli %add3A_328, %mul3A_329 : i32
      %dma_wait3A_331 = arith.constant 0 : i32
      %dma_wait3A_332 = tpu.memref_slice %arg4[%mul3A_330, %dma_wait3A_331] : memref<524288x4xf32, #tpu.memory_space<hbm>> -> memref<128x4xf32, #tpu.memory_space<hbm>>
      %dma_wait3A_333 = arith.constant 0 : i32
      %dma_wait3A_334 = tpu.memref_slice %arg4[%mul3A_330, %dma_wait3A_333] : memref<524288x4xf32, #tpu.memory_space<hbm>> -> memref<128x4xf32, #tpu.memory_space<hbm>>
      tpu.wait_dma2 semaphore(%arg29 : memref<!tpu.dma_semaphore, #tpu.memory_space<semaphore_mem>>) src(%arg13 : memref<128x4xf32, #tpu.memory_space<vmem>>) dst(%dma_wait3A_334 : memref<128x4xf32, #tpu.memory_space<hbm>>)
      %add3A_335 = arith.constant 7 : i32
      %add3A_336 = arith.addi %mul3A_67, %add3A_335 : i32
      %add3A_337 = arith.constant 8 : i32
      %add3A_338 = arith.addi %add3A_336, %add3A_337 : i32
      %lt3A_339 = arith.constant 128 : i32
      %lt3A_340 = arith.cmpi slt, %add3A_338, %lt3A_339 : i32
      %convert_element_type3A_341 = arith.extui %lt3A_340 : i1 to i32
      %cond3A_342 = arith.constant 0 : i32
      %cond3A_343 = arith.cmpi ne, %convert_element_type3A_341, %cond3A_342 : i32
      scf.if %cond3A_343 {
        %add3A_345 = arith.constant 7 : i32
        %add3A_346 = arith.addi %mul3A_67, %add3A_345 : i32
        %add3A_347 = arith.constant 8 : i32
        %add3A_348 = arith.addi %add3A_346, %add3A_347 : i32
        %dma_start3A_349 = arith.constant 0 : i32
        %dma_start3A_350 = tpu.memref_slice %arg5[%add3A_348, %dma_start3A_349] : memref<128x128xi32, #tpu.memory_space<vmem>> -> memref<1x128xi32, #tpu.memory_space<vmem>>
        %dma_start3A_351 = tpu.memref_squeeze %dma_start3A_350 : memref<1x128xi32, #tpu.memory_space<vmem>> -> memref<128xi32, #tpu.memory_space<vmem>>
        %dma_start3A_352 = arith.constant 0 : i32
        %dma_start3A_353 = arith.constant 0 : i32
        %dma_start3A_354 = tpu.memref_slice %arg3[%dma_start3A_352, %dma_start3A_353] : memref<16384x4xf32, #tpu.memory_space<hbm>> -> memref<16384x4xf32, #tpu.memory_space<hbm>>
        tpu.enqueue_indirect_dma source(%dma_start3A_354 : memref<16384x4xf32, #tpu.memory_space<hbm>>) target(%arg13 : memref<128x4xf32, #tpu.memory_space<vmem>>) offsets(%dma_start3A_351 : memref<128xi32, #tpu.memory_space<vmem>>) semaphore(%arg21 : memref<!tpu.dma_semaphore, #tpu.memory_space<semaphore_mem>>)
      } else {
      }
      %scan3A_344 = arith.constant 0 : i32
      scf.yield %scan3A_344 : i32
    }
    %scan3A_63 = arith.constant 16 : i32
    return
  }
}

module attributes {stable_mosaic.version = 14 : i64} {
  func.func @_topk_kernel(%arg0: i32, %arg1: i32, %arg2: memref<1x256x3xf32, #tpu.memory_space<vmem>>, %arg3: memref<1x3x2048xf32, #tpu.memory_space<vmem>>, %arg4: memref<1x256x32xi32, #tpu.memory_space<vmem>>) attributes {dimension_semantics = [#tpu.dimension_semantics<arbitrary>, #tpu.dimension_semantics<arbitrary>], iteration_bounds = array<i64: 8, 8>, scalar_prefetch = 0 : i64, scratch_operands = 0 : i64, tpu.core_type = #tpu.core_type<tc>, window_params = [{transform_indices = @transform_0, window_bounds = array<i64: 1, 256, 3>}, {transform_indices = @transform_1, window_bounds = array<i64: 1, 3, 2048>}, {transform_indices = @transform_2, window_bounds = array<i64: 1, 256, 32>}]} {
    %get3A = arith.constant 0 : index
    %get3A_0 = arith.constant 0 : index
    %get3A_1 = arith.constant 0 : index
    %get3A_2 = vector.load %arg2[%get3A, %get3A_0, %get3A_1] : memref<1x256x3xf32, #tpu.memory_space<vmem>>, vector<1x256x3xf32>
    %get3A_3 = vector.shape_cast %get3A_2 : vector<1x256x3xf32> to vector<256x3xf32>
    %get3A_4 = arith.constant 0 : index
    %get3A_5 = arith.constant 0 : index
    %get3A_6 = arith.constant 0 : index
    %get3A_7 = vector.load %arg3[%get3A_4, %get3A_5, %get3A_6] : memref<1x3x2048xf32, #tpu.memory_space<vmem>>, vector<1x3x2048xf32>
    %get3A_8 = vector.shape_cast %get3A_7 : vector<1x3x2048xf32> to vector<3x2048xf32>
    %slice3A = vector.extract_strided_slice %get3A_3 {offsets = [0, 0], sizes = [256, 1], strides = [1, 1]} : vector<256x3xf32> to vector<256x1xf32>
    %slice3A_9 = vector.extract_strided_slice %get3A_8 {offsets = [0, 0], sizes = [1, 2048], strides = [1, 1]} : vector<3x2048xf32> to vector<1x2048xf32>
    %convert_element_type3A = arith.truncf %slice3A : vector<256x1xf32> to vector<256x1xbf16>
    %convert_element_type3A_10 = arith.extf %convert_element_type3A : vector<256x1xbf16> to vector<256x1xf32>
    %convert_element_type3A_11 = arith.truncf %slice3A_9 : vector<1x2048xf32> to vector<1x2048xbf16>
    %convert_element_type3A_12 = arith.extf %convert_element_type3A_11 : vector<1x2048xbf16> to vector<1x2048xf32>
    %mul3A = vector.broadcast %convert_element_type3A_10 : vector<256x1xf32> to vector<256x2048xf32>
    %mul3A_13 = vector.broadcast %convert_element_type3A_12 : vector<1x2048xf32> to vector<256x2048xf32>
    %mul3A_14 = arith.mulf %mul3A, %mul3A_13 : vector<256x2048xf32>
    %mul3A_15 = arith.mulf %slice3A, %slice3A : vector<256x1xf32>
    %mul3A_16 = arith.mulf %slice3A_9, %slice3A_9 : vector<1x2048xf32>
    %slice3A_17 = vector.extract_strided_slice %get3A_3 {offsets = [0, 1], sizes = [256, 1], strides = [1, 1]} : vector<256x3xf32> to vector<256x1xf32>
    %slice3A_18 = vector.extract_strided_slice %get3A_8 {offsets = [1, 0], sizes = [1, 2048], strides = [1, 1]} : vector<3x2048xf32> to vector<1x2048xf32>
    %convert_element_type3A_19 = arith.truncf %slice3A_17 : vector<256x1xf32> to vector<256x1xbf16>
    %convert_element_type3A_20 = arith.extf %convert_element_type3A_19 : vector<256x1xbf16> to vector<256x1xf32>
    %convert_element_type3A_21 = arith.truncf %slice3A_18 : vector<1x2048xf32> to vector<1x2048xbf16>
    %convert_element_type3A_22 = arith.extf %convert_element_type3A_21 : vector<1x2048xbf16> to vector<1x2048xf32>
    %mul3A_23 = vector.broadcast %convert_element_type3A_20 : vector<256x1xf32> to vector<256x2048xf32>
    %mul3A_24 = vector.broadcast %convert_element_type3A_22 : vector<1x2048xf32> to vector<256x2048xf32>
    %mul3A_25 = arith.mulf %mul3A_23, %mul3A_24 : vector<256x2048xf32>
    %add3A = arith.addf %mul3A_14, %mul3A_25 : vector<256x2048xf32>
    %mul3A_26 = arith.mulf %slice3A_17, %slice3A_17 : vector<256x1xf32>
    %add3A_27 = arith.addf %mul3A_15, %mul3A_26 : vector<256x1xf32>
    %mul3A_28 = arith.mulf %slice3A_18, %slice3A_18 : vector<1x2048xf32>
    %add3A_29 = arith.addf %mul3A_16, %mul3A_28 : vector<1x2048xf32>
    %slice3A_30 = vector.extract_strided_slice %get3A_3 {offsets = [0, 2], sizes = [256, 1], strides = [1, 1]} : vector<256x3xf32> to vector<256x1xf32>
    %slice3A_31 = vector.extract_strided_slice %get3A_8 {offsets = [2, 0], sizes = [1, 2048], strides = [1, 1]} : vector<3x2048xf32> to vector<1x2048xf32>
    %convert_element_type3A_32 = arith.truncf %slice3A_30 : vector<256x1xf32> to vector<256x1xbf16>
    %convert_element_type3A_33 = arith.extf %convert_element_type3A_32 : vector<256x1xbf16> to vector<256x1xf32>
    %convert_element_type3A_34 = arith.truncf %slice3A_31 : vector<1x2048xf32> to vector<1x2048xbf16>
    %convert_element_type3A_35 = arith.extf %convert_element_type3A_34 : vector<1x2048xbf16> to vector<1x2048xf32>
    %mul3A_36 = vector.broadcast %convert_element_type3A_33 : vector<256x1xf32> to vector<256x2048xf32>
    %mul3A_37 = vector.broadcast %convert_element_type3A_35 : vector<1x2048xf32> to vector<256x2048xf32>
    %mul3A_38 = arith.mulf %mul3A_36, %mul3A_37 : vector<256x2048xf32>
    %add3A_39 = arith.addf %add3A, %mul3A_38 : vector<256x2048xf32>
    %mul3A_40 = arith.mulf %slice3A_30, %slice3A_30 : vector<256x1xf32>
    %add3A_41 = arith.addf %add3A_27, %mul3A_40 : vector<256x1xf32>
    %mul3A_42 = arith.mulf %slice3A_31, %slice3A_31 : vector<1x2048xf32>
    %add3A_43 = arith.addf %add3A_29, %mul3A_42 : vector<1x2048xf32>
    %mul3A_44 = arith.constant -2.000000e+00 : f32
    %mul3A_45 = vector.broadcast %mul3A_44 : f32 to vector<256x2048xf32>
    %mul3A_46 = arith.mulf %mul3A_45, %add3A_39 : vector<256x2048xf32>
    %add3A_47 = vector.broadcast %add3A_41 : vector<256x1xf32> to vector<256x2048xf32>
    %add3A_48 = arith.addf %mul3A_46, %add3A_47 : vector<256x2048xf32>
    %add3A_49 = vector.broadcast %add3A_43 : vector<1x2048xf32> to vector<256x2048xf32>
    %add3A_50 = arith.addf %add3A_48, %add3A_49 : vector<256x2048xf32>
    %iota3A = tpu.iota {dimensions = array<i32: 1>} : vector<256x2048xi32>
    %reduce_min3A = arith.constant dense<0x7F800000> : vector<256xf32>
    %reduce_min3A_51 = vector.multi_reduction <minimumf>, %add3A_50, %reduce_min3A [1] : vector<256x2048xf32> to vector<256xf32>
    %broadcast_in_dim3A = vector.shape_cast %reduce_min3A_51 : vector<256xf32> to vector<256x1xf32>
    %eq3A = vector.broadcast %broadcast_in_dim3A : vector<256x1xf32> to vector<256x2048xf32>
    %eq3A_52 = arith.cmpf oeq, %add3A_50, %eq3A : vector<256x2048xf32>
    %jit3A = arith.constant 2048 : i32
    %broadcast_in_dim3A_53 = vector.broadcast %jit3A : i32 to vector<256x2048xi32>
    %select_n3A = arith.select %eq3A_52, %iota3A, %broadcast_in_dim3A_53 : vector<256x2048xi1>, vector<256x2048xi32>
    %reduce_min3A_54 = arith.constant dense<2147483647> : vector<256xi32>
    %reduce_min3A_55 = vector.multi_reduction <minsi>, %select_n3A, %reduce_min3A_54 [1] : vector<256x2048xi32> to vector<256xi32>
    %broadcast_in_dim3A_56 = vector.shape_cast %reduce_min3A_55 : vector<256xi32> to vector<256x1xi32>
    %eq3A_57 = vector.broadcast %broadcast_in_dim3A_56 : vector<256x1xi32> to vector<256x2048xi32>
    %eq3A_58 = arith.cmpi eq, %iota3A, %eq3A_57 : vector<256x2048xi32>
    %jit3A_59 = arith.constant 0x7F800000 : f32
    %broadcast_in_dim3A_60 = vector.broadcast %jit3A_59 : f32 to vector<256x2048xf32>
    %select_n3A_61 = arith.select %eq3A_58, %broadcast_in_dim3A_60, %add3A_50 : vector<256x2048xi1>, vector<256x2048xf32>
    %reduce_min3A_62 = arith.constant dense<0x7F800000> : vector<256xf32>
    %reduce_min3A_63 = vector.multi_reduction <minimumf>, %select_n3A_61, %reduce_min3A_62 [1] : vector<256x2048xf32> to vector<256xf32>
    %broadcast_in_dim3A_64 = vector.shape_cast %reduce_min3A_63 : vector<256xf32> to vector<256x1xf32>
    %eq3A_65 = vector.broadcast %broadcast_in_dim3A_64 : vector<256x1xf32> to vector<256x2048xf32>
    %eq3A_66 = arith.cmpf oeq, %select_n3A_61, %eq3A_65 : vector<256x2048xf32>
    %jit3A_67 = arith.constant 2048 : i32
    %broadcast_in_dim3A_68 = vector.broadcast %jit3A_67 : i32 to vector<256x2048xi32>
    %select_n3A_69 = arith.select %eq3A_66, %iota3A, %broadcast_in_dim3A_68 : vector<256x2048xi1>, vector<256x2048xi32>
    %reduce_min3A_70 = arith.constant dense<2147483647> : vector<256xi32>
    %reduce_min3A_71 = vector.multi_reduction <minsi>, %select_n3A_69, %reduce_min3A_70 [1] : vector<256x2048xi32> to vector<256xi32>
    %broadcast_in_dim3A_72 = vector.shape_cast %reduce_min3A_71 : vector<256xi32> to vector<256x1xi32>
    %eq3A_73 = vector.broadcast %broadcast_in_dim3A_72 : vector<256x1xi32> to vector<256x2048xi32>
    %eq3A_74 = arith.cmpi eq, %iota3A, %eq3A_73 : vector<256x2048xi32>
    %jit3A_75 = arith.constant 0x7F800000 : f32
    %broadcast_in_dim3A_76 = vector.broadcast %jit3A_75 : f32 to vector<256x2048xf32>
    %select_n3A_77 = arith.select %eq3A_74, %broadcast_in_dim3A_76, %select_n3A_61 : vector<256x2048xi1>, vector<256x2048xf32>
    %reduce_min3A_78 = arith.constant dense<0x7F800000> : vector<256xf32>
    %reduce_min3A_79 = vector.multi_reduction <minimumf>, %select_n3A_77, %reduce_min3A_78 [1] : vector<256x2048xf32> to vector<256xf32>
    %broadcast_in_dim3A_80 = vector.shape_cast %reduce_min3A_79 : vector<256xf32> to vector<256x1xf32>
    %eq3A_81 = vector.broadcast %broadcast_in_dim3A_80 : vector<256x1xf32> to vector<256x2048xf32>
    %eq3A_82 = arith.cmpf oeq, %select_n3A_77, %eq3A_81 : vector<256x2048xf32>
    %jit3A_83 = arith.constant 2048 : i32
    %broadcast_in_dim3A_84 = vector.broadcast %jit3A_83 : i32 to vector<256x2048xi32>
    %select_n3A_85 = arith.select %eq3A_82, %iota3A, %broadcast_in_dim3A_84 : vector<256x2048xi1>, vector<256x2048xi32>
    %reduce_min3A_86 = arith.constant dense<2147483647> : vector<256xi32>
    %reduce_min3A_87 = vector.multi_reduction <minsi>, %select_n3A_85, %reduce_min3A_86 [1] : vector<256x2048xi32> to vector<256xi32>
    %broadcast_in_dim3A_88 = vector.shape_cast %reduce_min3A_87 : vector<256xi32> to vector<256x1xi32>
    %eq3A_89 = vector.broadcast %broadcast_in_dim3A_88 : vector<256x1xi32> to vector<256x2048xi32>
    %eq3A_90 = arith.cmpi eq, %iota3A, %eq3A_89 : vector<256x2048xi32>
    %jit3A_91 = arith.constant 0x7F800000 : f32
    %broadcast_in_dim3A_92 = vector.broadcast %jit3A_91 : f32 to vector<256x2048xf32>
    %select_n3A_93 = arith.select %eq3A_90, %broadcast_in_dim3A_92, %select_n3A_77 : vector<256x2048xi1>, vector<256x2048xf32>
    %reduce_min3A_94 = arith.constant dense<0x7F800000> : vector<256xf32>
    %reduce_min3A_95 = vector.multi_reduction <minimumf>, %select_n3A_93, %reduce_min3A_94 [1] : vector<256x2048xf32> to vector<256xf32>
    %broadcast_in_dim3A_96 = vector.shape_cast %reduce_min3A_95 : vector<256xf32> to vector<256x1xf32>
    %eq3A_97 = vector.broadcast %broadcast_in_dim3A_96 : vector<256x1xf32> to vector<256x2048xf32>
    %eq3A_98 = arith.cmpf oeq, %select_n3A_93, %eq3A_97 : vector<256x2048xf32>
    %jit3A_99 = arith.constant 2048 : i32
    %broadcast_in_dim3A_100 = vector.broadcast %jit3A_99 : i32 to vector<256x2048xi32>
    %select_n3A_101 = arith.select %eq3A_98, %iota3A, %broadcast_in_dim3A_100 : vector<256x2048xi1>, vector<256x2048xi32>
    %reduce_min3A_102 = arith.constant dense<2147483647> : vector<256xi32>
    %reduce_min3A_103 = vector.multi_reduction <minsi>, %select_n3A_101, %reduce_min3A_102 [1] : vector<256x2048xi32> to vector<256xi32>
    %broadcast_in_dim3A_104 = vector.shape_cast %reduce_min3A_103 : vector<256xi32> to vector<256x1xi32>
    %eq3A_105 = vector.broadcast %broadcast_in_dim3A_104 : vector<256x1xi32> to vector<256x2048xi32>
    %eq3A_106 = arith.cmpi eq, %iota3A, %eq3A_105 : vector<256x2048xi32>
    %jit3A_107 = arith.constant 0x7F800000 : f32
    %broadcast_in_dim3A_108 = vector.broadcast %jit3A_107 : f32 to vector<256x2048xf32>
    %select_n3A_109 = arith.select %eq3A_106, %broadcast_in_dim3A_108, %select_n3A_93 : vector<256x2048xi1>, vector<256x2048xf32>
    %reduce_min3A_110 = arith.constant dense<0x7F800000> : vector<256xf32>
    %reduce_min3A_111 = vector.multi_reduction <minimumf>, %select_n3A_109, %reduce_min3A_110 [1] : vector<256x2048xf32> to vector<256xf32>
    %broadcast_in_dim3A_112 = vector.shape_cast %reduce_min3A_111 : vector<256xf32> to vector<256x1xf32>
    %eq3A_113 = vector.broadcast %broadcast_in_dim3A_112 : vector<256x1xf32> to vector<256x2048xf32>
    %eq3A_114 = arith.cmpf oeq, %select_n3A_109, %eq3A_113 : vector<256x2048xf32>
    %jit3A_115 = arith.constant 2048 : i32
    %broadcast_in_dim3A_116 = vector.broadcast %jit3A_115 : i32 to vector<256x2048xi32>
    %select_n3A_117 = arith.select %eq3A_114, %iota3A, %broadcast_in_dim3A_116 : vector<256x2048xi1>, vector<256x2048xi32>
    %reduce_min3A_118 = arith.constant dense<2147483647> : vector<256xi32>
    %reduce_min3A_119 = vector.multi_reduction <minsi>, %select_n3A_117, %reduce_min3A_118 [1] : vector<256x2048xi32> to vector<256xi32>
    %broadcast_in_dim3A_120 = vector.shape_cast %reduce_min3A_119 : vector<256xi32> to vector<256x1xi32>
    %eq3A_121 = vector.broadcast %broadcast_in_dim3A_120 : vector<256x1xi32> to vector<256x2048xi32>
    %eq3A_122 = arith.cmpi eq, %iota3A, %eq3A_121 : vector<256x2048xi32>
    %jit3A_123 = arith.constant 0x7F800000 : f32
    %broadcast_in_dim3A_124 = vector.broadcast %jit3A_123 : f32 to vector<256x2048xf32>
    %select_n3A_125 = arith.select %eq3A_122, %broadcast_in_dim3A_124, %select_n3A_109 : vector<256x2048xi1>, vector<256x2048xf32>
    %reduce_min3A_126 = arith.constant dense<0x7F800000> : vector<256xf32>
    %reduce_min3A_127 = vector.multi_reduction <minimumf>, %select_n3A_125, %reduce_min3A_126 [1] : vector<256x2048xf32> to vector<256xf32>
    %broadcast_in_dim3A_128 = vector.shape_cast %reduce_min3A_127 : vector<256xf32> to vector<256x1xf32>
    %eq3A_129 = vector.broadcast %broadcast_in_dim3A_128 : vector<256x1xf32> to vector<256x2048xf32>
    %eq3A_130 = arith.cmpf oeq, %select_n3A_125, %eq3A_129 : vector<256x2048xf32>
    %jit3A_131 = arith.constant 2048 : i32
    %broadcast_in_dim3A_132 = vector.broadcast %jit3A_131 : i32 to vector<256x2048xi32>
    %select_n3A_133 = arith.select %eq3A_130, %iota3A, %broadcast_in_dim3A_132 : vector<256x2048xi1>, vector<256x2048xi32>
    %reduce_min3A_134 = arith.constant dense<2147483647> : vector<256xi32>
    %reduce_min3A_135 = vector.multi_reduction <minsi>, %select_n3A_133, %reduce_min3A_134 [1] : vector<256x2048xi32> to vector<256xi32>
    %broadcast_in_dim3A_136 = vector.shape_cast %reduce_min3A_135 : vector<256xi32> to vector<256x1xi32>
    %eq3A_137 = vector.broadcast %broadcast_in_dim3A_136 : vector<256x1xi32> to vector<256x2048xi32>
    %eq3A_138 = arith.cmpi eq, %iota3A, %eq3A_137 : vector<256x2048xi32>
    %jit3A_139 = arith.constant 0x7F800000 : f32
    %broadcast_in_dim3A_140 = vector.broadcast %jit3A_139 : f32 to vector<256x2048xf32>
    %select_n3A_141 = arith.select %eq3A_138, %broadcast_in_dim3A_140, %select_n3A_125 : vector<256x2048xi1>, vector<256x2048xf32>
    %reduce_min3A_142 = arith.constant dense<0x7F800000> : vector<256xf32>
    %reduce_min3A_143 = vector.multi_reduction <minimumf>, %select_n3A_141, %reduce_min3A_142 [1] : vector<256x2048xf32> to vector<256xf32>
    %broadcast_in_dim3A_144 = vector.shape_cast %reduce_min3A_143 : vector<256xf32> to vector<256x1xf32>
    %eq3A_145 = vector.broadcast %broadcast_in_dim3A_144 : vector<256x1xf32> to vector<256x2048xf32>
    %eq3A_146 = arith.cmpf oeq, %select_n3A_141, %eq3A_145 : vector<256x2048xf32>
    %jit3A_147 = arith.constant 2048 : i32
    %broadcast_in_dim3A_148 = vector.broadcast %jit3A_147 : i32 to vector<256x2048xi32>
    %select_n3A_149 = arith.select %eq3A_146, %iota3A, %broadcast_in_dim3A_148 : vector<256x2048xi1>, vector<256x2048xi32>
    %reduce_min3A_150 = arith.constant dense<2147483647> : vector<256xi32>
    %reduce_min3A_151 = vector.multi_reduction <minsi>, %select_n3A_149, %reduce_min3A_150 [1] : vector<256x2048xi32> to vector<256xi32>
    %broadcast_in_dim3A_152 = vector.shape_cast %reduce_min3A_151 : vector<256xi32> to vector<256x1xi32>
    %eq3A_153 = vector.broadcast %broadcast_in_dim3A_152 : vector<256x1xi32> to vector<256x2048xi32>
    %eq3A_154 = arith.cmpi eq, %iota3A, %eq3A_153 : vector<256x2048xi32>
    %jit3A_155 = arith.constant 0x7F800000 : f32
    %broadcast_in_dim3A_156 = vector.broadcast %jit3A_155 : f32 to vector<256x2048xf32>
    %select_n3A_157 = arith.select %eq3A_154, %broadcast_in_dim3A_156, %select_n3A_141 : vector<256x2048xi1>, vector<256x2048xf32>
    %reduce_min3A_158 = arith.constant dense<0x7F800000> : vector<256xf32>
    %reduce_min3A_159 = vector.multi_reduction <minimumf>, %select_n3A_157, %reduce_min3A_158 [1] : vector<256x2048xf32> to vector<256xf32>
    %broadcast_in_dim3A_160 = vector.shape_cast %reduce_min3A_159 : vector<256xf32> to vector<256x1xf32>
    %eq3A_161 = vector.broadcast %broadcast_in_dim3A_160 : vector<256x1xf32> to vector<256x2048xf32>
    %eq3A_162 = arith.cmpf oeq, %select_n3A_157, %eq3A_161 : vector<256x2048xf32>
    %jit3A_163 = arith.constant 2048 : i32
    %broadcast_in_dim3A_164 = vector.broadcast %jit3A_163 : i32 to vector<256x2048xi32>
    %select_n3A_165 = arith.select %eq3A_162, %iota3A, %broadcast_in_dim3A_164 : vector<256x2048xi1>, vector<256x2048xi32>
    %reduce_min3A_166 = arith.constant dense<2147483647> : vector<256xi32>
    %reduce_min3A_167 = vector.multi_reduction <minsi>, %select_n3A_165, %reduce_min3A_166 [1] : vector<256x2048xi32> to vector<256xi32>
    %broadcast_in_dim3A_168 = vector.shape_cast %reduce_min3A_167 : vector<256xi32> to vector<256x1xi32>
    %eq3A_169 = vector.broadcast %broadcast_in_dim3A_168 : vector<256x1xi32> to vector<256x2048xi32>
    %eq3A_170 = arith.cmpi eq, %iota3A, %eq3A_169 : vector<256x2048xi32>
    %jit3A_171 = arith.constant 0x7F800000 : f32
    %broadcast_in_dim3A_172 = vector.broadcast %jit3A_171 : f32 to vector<256x2048xf32>
    %select_n3A_173 = arith.select %eq3A_170, %broadcast_in_dim3A_172, %select_n3A_157 : vector<256x2048xi1>, vector<256x2048xf32>
    %reduce_min3A_174 = arith.constant dense<0x7F800000> : vector<256xf32>
    %reduce_min3A_175 = vector.multi_reduction <minimumf>, %select_n3A_173, %reduce_min3A_174 [1] : vector<256x2048xf32> to vector<256xf32>
    %broadcast_in_dim3A_176 = vector.shape_cast %reduce_min3A_175 : vector<256xf32> to vector<256x1xf32>
    %eq3A_177 = vector.broadcast %broadcast_in_dim3A_176 : vector<256x1xf32> to vector<256x2048xf32>
    %eq3A_178 = arith.cmpf oeq, %select_n3A_173, %eq3A_177 : vector<256x2048xf32>
    %jit3A_179 = arith.constant 2048 : i32
    %broadcast_in_dim3A_180 = vector.broadcast %jit3A_179 : i32 to vector<256x2048xi32>
    %select_n3A_181 = arith.select %eq3A_178, %iota3A, %broadcast_in_dim3A_180 : vector<256x2048xi1>, vector<256x2048xi32>
    %reduce_min3A_182 = arith.constant dense<2147483647> : vector<256xi32>
    %reduce_min3A_183 = vector.multi_reduction <minsi>, %select_n3A_181, %reduce_min3A_182 [1] : vector<256x2048xi32> to vector<256xi32>
    %broadcast_in_dim3A_184 = vector.shape_cast %reduce_min3A_183 : vector<256xi32> to vector<256x1xi32>
    %eq3A_185 = vector.broadcast %broadcast_in_dim3A_184 : vector<256x1xi32> to vector<256x2048xi32>
    %eq3A_186 = arith.cmpi eq, %iota3A, %eq3A_185 : vector<256x2048xi32>
    %jit3A_187 = arith.constant 0x7F800000 : f32
    %broadcast_in_dim3A_188 = vector.broadcast %jit3A_187 : f32 to vector<256x2048xf32>
    %select_n3A_189 = arith.select %eq3A_186, %broadcast_in_dim3A_188, %select_n3A_173 : vector<256x2048xi1>, vector<256x2048xf32>
    %reduce_min3A_190 = arith.constant dense<0x7F800000> : vector<256xf32>
    %reduce_min3A_191 = vector.multi_reduction <minimumf>, %select_n3A_189, %reduce_min3A_190 [1] : vector<256x2048xf32> to vector<256xf32>
    %broadcast_in_dim3A_192 = vector.shape_cast %reduce_min3A_191 : vector<256xf32> to vector<256x1xf32>
    %eq3A_193 = vector.broadcast %broadcast_in_dim3A_192 : vector<256x1xf32> to vector<256x2048xf32>
    %eq3A_194 = arith.cmpf oeq, %select_n3A_189, %eq3A_193 : vector<256x2048xf32>
    %jit3A_195 = arith.constant 2048 : i32
    %broadcast_in_dim3A_196 = vector.broadcast %jit3A_195 : i32 to vector<256x2048xi32>
    %select_n3A_197 = arith.select %eq3A_194, %iota3A, %broadcast_in_dim3A_196 : vector<256x2048xi1>, vector<256x2048xi32>
    %reduce_min3A_198 = arith.constant dense<2147483647> : vector<256xi32>
    %reduce_min3A_199 = vector.multi_reduction <minsi>, %select_n3A_197, %reduce_min3A_198 [1] : vector<256x2048xi32> to vector<256xi32>
    %broadcast_in_dim3A_200 = vector.shape_cast %reduce_min3A_199 : vector<256xi32> to vector<256x1xi32>
    %eq3A_201 = vector.broadcast %broadcast_in_dim3A_200 : vector<256x1xi32> to vector<256x2048xi32>
    %eq3A_202 = arith.cmpi eq, %iota3A, %eq3A_201 : vector<256x2048xi32>
    %jit3A_203 = arith.constant 0x7F800000 : f32
    %broadcast_in_dim3A_204 = vector.broadcast %jit3A_203 : f32 to vector<256x2048xf32>
    %select_n3A_205 = arith.select %eq3A_202, %broadcast_in_dim3A_204, %select_n3A_189 : vector<256x2048xi1>, vector<256x2048xf32>
    %reduce_min3A_206 = arith.constant dense<0x7F800000> : vector<256xf32>
    %reduce_min3A_207 = vector.multi_reduction <minimumf>, %select_n3A_205, %reduce_min3A_206 [1] : vector<256x2048xf32> to vector<256xf32>
    %broadcast_in_dim3A_208 = vector.shape_cast %reduce_min3A_207 : vector<256xf32> to vector<256x1xf32>
    %eq3A_209 = vector.broadcast %broadcast_in_dim3A_208 : vector<256x1xf32> to vector<256x2048xf32>
    %eq3A_210 = arith.cmpf oeq, %select_n3A_205, %eq3A_209 : vector<256x2048xf32>
    %jit3A_211 = arith.constant 2048 : i32
    %broadcast_in_dim3A_212 = vector.broadcast %jit3A_211 : i32 to vector<256x2048xi32>
    %select_n3A_213 = arith.select %eq3A_210, %iota3A, %broadcast_in_dim3A_212 : vector<256x2048xi1>, vector<256x2048xi32>
    %reduce_min3A_214 = arith.constant dense<2147483647> : vector<256xi32>
    %reduce_min3A_215 = vector.multi_reduction <minsi>, %select_n3A_213, %reduce_min3A_214 [1] : vector<256x2048xi32> to vector<256xi32>
    %broadcast_in_dim3A_216 = vector.shape_cast %reduce_min3A_215 : vector<256xi32> to vector<256x1xi32>
    %eq3A_217 = vector.broadcast %broadcast_in_dim3A_216 : vector<256x1xi32> to vector<256x2048xi32>
    %eq3A_218 = arith.cmpi eq, %iota3A, %eq3A_217 : vector<256x2048xi32>
    %jit3A_219 = arith.constant 0x7F800000 : f32
    %broadcast_in_dim3A_220 = vector.broadcast %jit3A_219 : f32 to vector<256x2048xf32>
    %select_n3A_221 = arith.select %eq3A_218, %broadcast_in_dim3A_220, %select_n3A_205 : vector<256x2048xi1>, vector<256x2048xf32>
    %reduce_min3A_222 = arith.constant dense<0x7F800000> : vector<256xf32>
    %reduce_min3A_223 = vector.multi_reduction <minimumf>, %select_n3A_221, %reduce_min3A_222 [1] : vector<256x2048xf32> to vector<256xf32>
    %broadcast_in_dim3A_224 = vector.shape_cast %reduce_min3A_223 : vector<256xf32> to vector<256x1xf32>
    %eq3A_225 = vector.broadcast %broadcast_in_dim3A_224 : vector<256x1xf32> to vector<256x2048xf32>
    %eq3A_226 = arith.cmpf oeq, %select_n3A_221, %eq3A_225 : vector<256x2048xf32>
    %jit3A_227 = arith.constant 2048 : i32
    %broadcast_in_dim3A_228 = vector.broadcast %jit3A_227 : i32 to vector<256x2048xi32>
    %select_n3A_229 = arith.select %eq3A_226, %iota3A, %broadcast_in_dim3A_228 : vector<256x2048xi1>, vector<256x2048xi32>
    %reduce_min3A_230 = arith.constant dense<2147483647> : vector<256xi32>
    %reduce_min3A_231 = vector.multi_reduction <minsi>, %select_n3A_229, %reduce_min3A_230 [1] : vector<256x2048xi32> to vector<256xi32>
    %broadcast_in_dim3A_232 = vector.shape_cast %reduce_min3A_231 : vector<256xi32> to vector<256x1xi32>
    %eq3A_233 = vector.broadcast %broadcast_in_dim3A_232 : vector<256x1xi32> to vector<256x2048xi32>
    %eq3A_234 = arith.cmpi eq, %iota3A, %eq3A_233 : vector<256x2048xi32>
    %jit3A_235 = arith.constant 0x7F800000 : f32
    %broadcast_in_dim3A_236 = vector.broadcast %jit3A_235 : f32 to vector<256x2048xf32>
    %select_n3A_237 = arith.select %eq3A_234, %broadcast_in_dim3A_236, %select_n3A_221 : vector<256x2048xi1>, vector<256x2048xf32>
    %reduce_min3A_238 = arith.constant dense<0x7F800000> : vector<256xf32>
    %reduce_min3A_239 = vector.multi_reduction <minimumf>, %select_n3A_237, %reduce_min3A_238 [1] : vector<256x2048xf32> to vector<256xf32>
    %broadcast_in_dim3A_240 = vector.shape_cast %reduce_min3A_239 : vector<256xf32> to vector<256x1xf32>
    %eq3A_241 = vector.broadcast %broadcast_in_dim3A_240 : vector<256x1xf32> to vector<256x2048xf32>
    %eq3A_242 = arith.cmpf oeq, %select_n3A_237, %eq3A_241 : vector<256x2048xf32>
    %jit3A_243 = arith.constant 2048 : i32
    %broadcast_in_dim3A_244 = vector.broadcast %jit3A_243 : i32 to vector<256x2048xi32>
    %select_n3A_245 = arith.select %eq3A_242, %iota3A, %broadcast_in_dim3A_244 : vector<256x2048xi1>, vector<256x2048xi32>
    %reduce_min3A_246 = arith.constant dense<2147483647> : vector<256xi32>
    %reduce_min3A_247 = vector.multi_reduction <minsi>, %select_n3A_245, %reduce_min3A_246 [1] : vector<256x2048xi32> to vector<256xi32>
    %broadcast_in_dim3A_248 = vector.shape_cast %reduce_min3A_247 : vector<256xi32> to vector<256x1xi32>
    %eq3A_249 = vector.broadcast %broadcast_in_dim3A_248 : vector<256x1xi32> to vector<256x2048xi32>
    %eq3A_250 = arith.cmpi eq, %iota3A, %eq3A_249 : vector<256x2048xi32>
    %jit3A_251 = arith.constant 0x7F800000 : f32
    %broadcast_in_dim3A_252 = vector.broadcast %jit3A_251 : f32 to vector<256x2048xf32>
    %select_n3A_253 = arith.select %eq3A_250, %broadcast_in_dim3A_252, %select_n3A_237 : vector<256x2048xi1>, vector<256x2048xf32>
    %reduce_min3A_254 = arith.constant dense<0x7F800000> : vector<256xf32>
    %reduce_min3A_255 = vector.multi_reduction <minimumf>, %select_n3A_253, %reduce_min3A_254 [1] : vector<256x2048xf32> to vector<256xf32>
    %broadcast_in_dim3A_256 = vector.shape_cast %reduce_min3A_255 : vector<256xf32> to vector<256x1xf32>
    %eq3A_257 = vector.broadcast %broadcast_in_dim3A_256 : vector<256x1xf32> to vector<256x2048xf32>
    %eq3A_258 = arith.cmpf oeq, %select_n3A_253, %eq3A_257 : vector<256x2048xf32>
    %jit3A_259 = arith.constant 2048 : i32
    %broadcast_in_dim3A_260 = vector.broadcast %jit3A_259 : i32 to vector<256x2048xi32>
    %select_n3A_261 = arith.select %eq3A_258, %iota3A, %broadcast_in_dim3A_260 : vector<256x2048xi1>, vector<256x2048xi32>
    %reduce_min3A_262 = arith.constant dense<2147483647> : vector<256xi32>
    %reduce_min3A_263 = vector.multi_reduction <minsi>, %select_n3A_261, %reduce_min3A_262 [1] : vector<256x2048xi32> to vector<256xi32>
    %broadcast_in_dim3A_264 = vector.shape_cast %reduce_min3A_263 : vector<256xi32> to vector<256x1xi32>
    %eq3A_265 = vector.broadcast %broadcast_in_dim3A_264 : vector<256x1xi32> to vector<256x2048xi32>
    %eq3A_266 = arith.cmpi eq, %iota3A, %eq3A_265 : vector<256x2048xi32>
    %jit3A_267 = arith.constant 0x7F800000 : f32
    %broadcast_in_dim3A_268 = vector.broadcast %jit3A_267 : f32 to vector<256x2048xf32>
    %select_n3A_269 = arith.select %eq3A_266, %broadcast_in_dim3A_268, %select_n3A_253 : vector<256x2048xi1>, vector<256x2048xf32>
    %reduce_min3A_270 = arith.constant dense<0x7F800000> : vector<256xf32>
    %reduce_min3A_271 = vector.multi_reduction <minimumf>, %select_n3A_269, %reduce_min3A_270 [1] : vector<256x2048xf32> to vector<256xf32>
    %broadcast_in_dim3A_272 = vector.shape_cast %reduce_min3A_271 : vector<256xf32> to vector<256x1xf32>
    %eq3A_273 = vector.broadcast %broadcast_in_dim3A_272 : vector<256x1xf32> to vector<256x2048xf32>
    %eq3A_274 = arith.cmpf oeq, %select_n3A_269, %eq3A_273 : vector<256x2048xf32>
    %jit3A_275 = arith.constant 2048 : i32
    %broadcast_in_dim3A_276 = vector.broadcast %jit3A_275 : i32 to vector<256x2048xi32>
    %select_n3A_277 = arith.select %eq3A_274, %iota3A, %broadcast_in_dim3A_276 : vector<256x2048xi1>, vector<256x2048xi32>
    %reduce_min3A_278 = arith.constant dense<2147483647> : vector<256xi32>
    %reduce_min3A_279 = vector.multi_reduction <minsi>, %select_n3A_277, %reduce_min3A_278 [1] : vector<256x2048xi32> to vector<256xi32>
    %broadcast_in_dim3A_280 = vector.shape_cast %reduce_min3A_279 : vector<256xi32> to vector<256x1xi32>
    %eq3A_281 = vector.broadcast %broadcast_in_dim3A_280 : vector<256x1xi32> to vector<256x2048xi32>
    %eq3A_282 = arith.cmpi eq, %iota3A, %eq3A_281 : vector<256x2048xi32>
    %jit3A_283 = arith.constant 0x7F800000 : f32
    %broadcast_in_dim3A_284 = vector.broadcast %jit3A_283 : f32 to vector<256x2048xf32>
    %select_n3A_285 = arith.select %eq3A_282, %broadcast_in_dim3A_284, %select_n3A_269 : vector<256x2048xi1>, vector<256x2048xf32>
    %reduce_min3A_286 = arith.constant dense<0x7F800000> : vector<256xf32>
    %reduce_min3A_287 = vector.multi_reduction <minimumf>, %select_n3A_285, %reduce_min3A_286 [1] : vector<256x2048xf32> to vector<256xf32>
    %broadcast_in_dim3A_288 = vector.shape_cast %reduce_min3A_287 : vector<256xf32> to vector<256x1xf32>
    %eq3A_289 = vector.broadcast %broadcast_in_dim3A_288 : vector<256x1xf32> to vector<256x2048xf32>
    %eq3A_290 = arith.cmpf oeq, %select_n3A_285, %eq3A_289 : vector<256x2048xf32>
    %jit3A_291 = arith.constant 2048 : i32
    %broadcast_in_dim3A_292 = vector.broadcast %jit3A_291 : i32 to vector<256x2048xi32>
    %select_n3A_293 = arith.select %eq3A_290, %iota3A, %broadcast_in_dim3A_292 : vector<256x2048xi1>, vector<256x2048xi32>
    %reduce_min3A_294 = arith.constant dense<2147483647> : vector<256xi32>
    %reduce_min3A_295 = vector.multi_reduction <minsi>, %select_n3A_293, %reduce_min3A_294 [1] : vector<256x2048xi32> to vector<256xi32>
    %broadcast_in_dim3A_296 = vector.shape_cast %reduce_min3A_295 : vector<256xi32> to vector<256x1xi32>
    %eq3A_297 = vector.broadcast %broadcast_in_dim3A_296 : vector<256x1xi32> to vector<256x2048xi32>
    %eq3A_298 = arith.cmpi eq, %iota3A, %eq3A_297 : vector<256x2048xi32>
    %jit3A_299 = arith.constant 0x7F800000 : f32
    %broadcast_in_dim3A_300 = vector.broadcast %jit3A_299 : f32 to vector<256x2048xf32>
    %select_n3A_301 = arith.select %eq3A_298, %broadcast_in_dim3A_300, %select_n3A_285 : vector<256x2048xi1>, vector<256x2048xf32>
    %reduce_min3A_302 = arith.constant dense<0x7F800000> : vector<256xf32>
    %reduce_min3A_303 = vector.multi_reduction <minimumf>, %select_n3A_301, %reduce_min3A_302 [1] : vector<256x2048xf32> to vector<256xf32>
    %broadcast_in_dim3A_304 = vector.shape_cast %reduce_min3A_303 : vector<256xf32> to vector<256x1xf32>
    %eq3A_305 = vector.broadcast %broadcast_in_dim3A_304 : vector<256x1xf32> to vector<256x2048xf32>
    %eq3A_306 = arith.cmpf oeq, %select_n3A_301, %eq3A_305 : vector<256x2048xf32>
    %jit3A_307 = arith.constant 2048 : i32
    %broadcast_in_dim3A_308 = vector.broadcast %jit3A_307 : i32 to vector<256x2048xi32>
    %select_n3A_309 = arith.select %eq3A_306, %iota3A, %broadcast_in_dim3A_308 : vector<256x2048xi1>, vector<256x2048xi32>
    %reduce_min3A_310 = arith.constant dense<2147483647> : vector<256xi32>
    %reduce_min3A_311 = vector.multi_reduction <minsi>, %select_n3A_309, %reduce_min3A_310 [1] : vector<256x2048xi32> to vector<256xi32>
    %broadcast_in_dim3A_312 = vector.shape_cast %reduce_min3A_311 : vector<256xi32> to vector<256x1xi32>
    %eq3A_313 = vector.broadcast %broadcast_in_dim3A_312 : vector<256x1xi32> to vector<256x2048xi32>
    %eq3A_314 = arith.cmpi eq, %iota3A, %eq3A_313 : vector<256x2048xi32>
    %jit3A_315 = arith.constant 0x7F800000 : f32
    %broadcast_in_dim3A_316 = vector.broadcast %jit3A_315 : f32 to vector<256x2048xf32>
    %select_n3A_317 = arith.select %eq3A_314, %broadcast_in_dim3A_316, %select_n3A_301 : vector<256x2048xi1>, vector<256x2048xf32>
    %reduce_min3A_318 = arith.constant dense<0x7F800000> : vector<256xf32>
    %reduce_min3A_319 = vector.multi_reduction <minimumf>, %select_n3A_317, %reduce_min3A_318 [1] : vector<256x2048xf32> to vector<256xf32>
    %broadcast_in_dim3A_320 = vector.shape_cast %reduce_min3A_319 : vector<256xf32> to vector<256x1xf32>
    %eq3A_321 = vector.broadcast %broadcast_in_dim3A_320 : vector<256x1xf32> to vector<256x2048xf32>
    %eq3A_322 = arith.cmpf oeq, %select_n3A_317, %eq3A_321 : vector<256x2048xf32>
    %jit3A_323 = arith.constant 2048 : i32
    %broadcast_in_dim3A_324 = vector.broadcast %jit3A_323 : i32 to vector<256x2048xi32>
    %select_n3A_325 = arith.select %eq3A_322, %iota3A, %broadcast_in_dim3A_324 : vector<256x2048xi1>, vector<256x2048xi32>
    %reduce_min3A_326 = arith.constant dense<2147483647> : vector<256xi32>
    %reduce_min3A_327 = vector.multi_reduction <minsi>, %select_n3A_325, %reduce_min3A_326 [1] : vector<256x2048xi32> to vector<256xi32>
    %broadcast_in_dim3A_328 = vector.shape_cast %reduce_min3A_327 : vector<256xi32> to vector<256x1xi32>
    %eq3A_329 = vector.broadcast %broadcast_in_dim3A_328 : vector<256x1xi32> to vector<256x2048xi32>
    %eq3A_330 = arith.cmpi eq, %iota3A, %eq3A_329 : vector<256x2048xi32>
    %jit3A_331 = arith.constant 0x7F800000 : f32
    %broadcast_in_dim3A_332 = vector.broadcast %jit3A_331 : f32 to vector<256x2048xf32>
    %select_n3A_333 = arith.select %eq3A_330, %broadcast_in_dim3A_332, %select_n3A_317 : vector<256x2048xi1>, vector<256x2048xf32>
    %reduce_min3A_334 = arith.constant dense<0x7F800000> : vector<256xf32>
    %reduce_min3A_335 = vector.multi_reduction <minimumf>, %select_n3A_333, %reduce_min3A_334 [1] : vector<256x2048xf32> to vector<256xf32>
    %broadcast_in_dim3A_336 = vector.shape_cast %reduce_min3A_335 : vector<256xf32> to vector<256x1xf32>
    %eq3A_337 = vector.broadcast %broadcast_in_dim3A_336 : vector<256x1xf32> to vector<256x2048xf32>
    %eq3A_338 = arith.cmpf oeq, %select_n3A_333, %eq3A_337 : vector<256x2048xf32>
    %jit3A_339 = arith.constant 2048 : i32
    %broadcast_in_dim3A_340 = vector.broadcast %jit3A_339 : i32 to vector<256x2048xi32>
    %select_n3A_341 = arith.select %eq3A_338, %iota3A, %broadcast_in_dim3A_340 : vector<256x2048xi1>, vector<256x2048xi32>
    %reduce_min3A_342 = arith.constant dense<2147483647> : vector<256xi32>
    %reduce_min3A_343 = vector.multi_reduction <minsi>, %select_n3A_341, %reduce_min3A_342 [1] : vector<256x2048xi32> to vector<256xi32>
    %broadcast_in_dim3A_344 = vector.shape_cast %reduce_min3A_343 : vector<256xi32> to vector<256x1xi32>
    %eq3A_345 = vector.broadcast %broadcast_in_dim3A_344 : vector<256x1xi32> to vector<256x2048xi32>
    %eq3A_346 = arith.cmpi eq, %iota3A, %eq3A_345 : vector<256x2048xi32>
    %jit3A_347 = arith.constant 0x7F800000 : f32
    %broadcast_in_dim3A_348 = vector.broadcast %jit3A_347 : f32 to vector<256x2048xf32>
    %select_n3A_349 = arith.select %eq3A_346, %broadcast_in_dim3A_348, %select_n3A_333 : vector<256x2048xi1>, vector<256x2048xf32>
    %reduce_min3A_350 = arith.constant dense<0x7F800000> : vector<256xf32>
    %reduce_min3A_351 = vector.multi_reduction <minimumf>, %select_n3A_349, %reduce_min3A_350 [1] : vector<256x2048xf32> to vector<256xf32>
    %broadcast_in_dim3A_352 = vector.shape_cast %reduce_min3A_351 : vector<256xf32> to vector<256x1xf32>
    %eq3A_353 = vector.broadcast %broadcast_in_dim3A_352 : vector<256x1xf32> to vector<256x2048xf32>
    %eq3A_354 = arith.cmpf oeq, %select_n3A_349, %eq3A_353 : vector<256x2048xf32>
    %jit3A_355 = arith.constant 2048 : i32
    %broadcast_in_dim3A_356 = vector.broadcast %jit3A_355 : i32 to vector<256x2048xi32>
    %select_n3A_357 = arith.select %eq3A_354, %iota3A, %broadcast_in_dim3A_356 : vector<256x2048xi1>, vector<256x2048xi32>
    %reduce_min3A_358 = arith.constant dense<2147483647> : vector<256xi32>
    %reduce_min3A_359 = vector.multi_reduction <minsi>, %select_n3A_357, %reduce_min3A_358 [1] : vector<256x2048xi32> to vector<256xi32>
    %broadcast_in_dim3A_360 = vector.shape_cast %reduce_min3A_359 : vector<256xi32> to vector<256x1xi32>
    %eq3A_361 = vector.broadcast %broadcast_in_dim3A_360 : vector<256x1xi32> to vector<256x2048xi32>
    %eq3A_362 = arith.cmpi eq, %iota3A, %eq3A_361 : vector<256x2048xi32>
    %jit3A_363 = arith.constant 0x7F800000 : f32
    %broadcast_in_dim3A_364 = vector.broadcast %jit3A_363 : f32 to vector<256x2048xf32>
    %select_n3A_365 = arith.select %eq3A_362, %broadcast_in_dim3A_364, %select_n3A_349 : vector<256x2048xi1>, vector<256x2048xf32>
    %reduce_min3A_366 = arith.constant dense<0x7F800000> : vector<256xf32>
    %reduce_min3A_367 = vector.multi_reduction <minimumf>, %select_n3A_365, %reduce_min3A_366 [1] : vector<256x2048xf32> to vector<256xf32>
    %broadcast_in_dim3A_368 = vector.shape_cast %reduce_min3A_367 : vector<256xf32> to vector<256x1xf32>
    %eq3A_369 = vector.broadcast %broadcast_in_dim3A_368 : vector<256x1xf32> to vector<256x2048xf32>
    %eq3A_370 = arith.cmpf oeq, %select_n3A_365, %eq3A_369 : vector<256x2048xf32>
    %jit3A_371 = arith.constant 2048 : i32
    %broadcast_in_dim3A_372 = vector.broadcast %jit3A_371 : i32 to vector<256x2048xi32>
    %select_n3A_373 = arith.select %eq3A_370, %iota3A, %broadcast_in_dim3A_372 : vector<256x2048xi1>, vector<256x2048xi32>
    %reduce_min3A_374 = arith.constant dense<2147483647> : vector<256xi32>
    %reduce_min3A_375 = vector.multi_reduction <minsi>, %select_n3A_373, %reduce_min3A_374 [1] : vector<256x2048xi32> to vector<256xi32>
    %broadcast_in_dim3A_376 = vector.shape_cast %reduce_min3A_375 : vector<256xi32> to vector<256x1xi32>
    %eq3A_377 = vector.broadcast %broadcast_in_dim3A_376 : vector<256x1xi32> to vector<256x2048xi32>
    %eq3A_378 = arith.cmpi eq, %iota3A, %eq3A_377 : vector<256x2048xi32>
    %jit3A_379 = arith.constant 0x7F800000 : f32
    %broadcast_in_dim3A_380 = vector.broadcast %jit3A_379 : f32 to vector<256x2048xf32>
    %select_n3A_381 = arith.select %eq3A_378, %broadcast_in_dim3A_380, %select_n3A_365 : vector<256x2048xi1>, vector<256x2048xf32>
    %reduce_min3A_382 = arith.constant dense<0x7F800000> : vector<256xf32>
    %reduce_min3A_383 = vector.multi_reduction <minimumf>, %select_n3A_381, %reduce_min3A_382 [1] : vector<256x2048xf32> to vector<256xf32>
    %broadcast_in_dim3A_384 = vector.shape_cast %reduce_min3A_383 : vector<256xf32> to vector<256x1xf32>
    %eq3A_385 = vector.broadcast %broadcast_in_dim3A_384 : vector<256x1xf32> to vector<256x2048xf32>
    %eq3A_386 = arith.cmpf oeq, %select_n3A_381, %eq3A_385 : vector<256x2048xf32>
    %jit3A_387 = arith.constant 2048 : i32
    %broadcast_in_dim3A_388 = vector.broadcast %jit3A_387 : i32 to vector<256x2048xi32>
    %select_n3A_389 = arith.select %eq3A_386, %iota3A, %broadcast_in_dim3A_388 : vector<256x2048xi1>, vector<256x2048xi32>
    %reduce_min3A_390 = arith.constant dense<2147483647> : vector<256xi32>
    %reduce_min3A_391 = vector.multi_reduction <minsi>, %select_n3A_389, %reduce_min3A_390 [1] : vector<256x2048xi32> to vector<256xi32>
    %broadcast_in_dim3A_392 = vector.shape_cast %reduce_min3A_391 : vector<256xi32> to vector<256x1xi32>
    %eq3A_393 = vector.broadcast %broadcast_in_dim3A_392 : vector<256x1xi32> to vector<256x2048xi32>
    %eq3A_394 = arith.cmpi eq, %iota3A, %eq3A_393 : vector<256x2048xi32>
    %jit3A_395 = arith.constant 0x7F800000 : f32
    %broadcast_in_dim3A_396 = vector.broadcast %jit3A_395 : f32 to vector<256x2048xf32>
    %select_n3A_397 = arith.select %eq3A_394, %broadcast_in_dim3A_396, %select_n3A_381 : vector<256x2048xi1>, vector<256x2048xf32>
    %reduce_min3A_398 = arith.constant dense<0x7F800000> : vector<256xf32>
    %reduce_min3A_399 = vector.multi_reduction <minimumf>, %select_n3A_397, %reduce_min3A_398 [1] : vector<256x2048xf32> to vector<256xf32>
    %broadcast_in_dim3A_400 = vector.shape_cast %reduce_min3A_399 : vector<256xf32> to vector<256x1xf32>
    %eq3A_401 = vector.broadcast %broadcast_in_dim3A_400 : vector<256x1xf32> to vector<256x2048xf32>
    %eq3A_402 = arith.cmpf oeq, %select_n3A_397, %eq3A_401 : vector<256x2048xf32>
    %jit3A_403 = arith.constant 2048 : i32
    %broadcast_in_dim3A_404 = vector.broadcast %jit3A_403 : i32 to vector<256x2048xi32>
    %select_n3A_405 = arith.select %eq3A_402, %iota3A, %broadcast_in_dim3A_404 : vector<256x2048xi1>, vector<256x2048xi32>
    %reduce_min3A_406 = arith.constant dense<2147483647> : vector<256xi32>
    %reduce_min3A_407 = vector.multi_reduction <minsi>, %select_n3A_405, %reduce_min3A_406 [1] : vector<256x2048xi32> to vector<256xi32>
    %broadcast_in_dim3A_408 = vector.shape_cast %reduce_min3A_407 : vector<256xi32> to vector<256x1xi32>
    %eq3A_409 = vector.broadcast %broadcast_in_dim3A_408 : vector<256x1xi32> to vector<256x2048xi32>
    %eq3A_410 = arith.cmpi eq, %iota3A, %eq3A_409 : vector<256x2048xi32>
    %jit3A_411 = arith.constant 0x7F800000 : f32
    %broadcast_in_dim3A_412 = vector.broadcast %jit3A_411 : f32 to vector<256x2048xf32>
    %select_n3A_413 = arith.select %eq3A_410, %broadcast_in_dim3A_412, %select_n3A_397 : vector<256x2048xi1>, vector<256x2048xf32>
    %reduce_min3A_414 = arith.constant dense<0x7F800000> : vector<256xf32>
    %reduce_min3A_415 = vector.multi_reduction <minimumf>, %select_n3A_413, %reduce_min3A_414 [1] : vector<256x2048xf32> to vector<256xf32>
    %broadcast_in_dim3A_416 = vector.shape_cast %reduce_min3A_415 : vector<256xf32> to vector<256x1xf32>
    %eq3A_417 = vector.broadcast %broadcast_in_dim3A_416 : vector<256x1xf32> to vector<256x2048xf32>
    %eq3A_418 = arith.cmpf oeq, %select_n3A_413, %eq3A_417 : vector<256x2048xf32>
    %jit3A_419 = arith.constant 2048 : i32
    %broadcast_in_dim3A_420 = vector.broadcast %jit3A_419 : i32 to vector<256x2048xi32>
    %select_n3A_421 = arith.select %eq3A_418, %iota3A, %broadcast_in_dim3A_420 : vector<256x2048xi1>, vector<256x2048xi32>
    %reduce_min3A_422 = arith.constant dense<2147483647> : vector<256xi32>
    %reduce_min3A_423 = vector.multi_reduction <minsi>, %select_n3A_421, %reduce_min3A_422 [1] : vector<256x2048xi32> to vector<256xi32>
    %broadcast_in_dim3A_424 = vector.shape_cast %reduce_min3A_423 : vector<256xi32> to vector<256x1xi32>
    %eq3A_425 = vector.broadcast %broadcast_in_dim3A_424 : vector<256x1xi32> to vector<256x2048xi32>
    %eq3A_426 = arith.cmpi eq, %iota3A, %eq3A_425 : vector<256x2048xi32>
    %jit3A_427 = arith.constant 0x7F800000 : f32
    %broadcast_in_dim3A_428 = vector.broadcast %jit3A_427 : f32 to vector<256x2048xf32>
    %select_n3A_429 = arith.select %eq3A_426, %broadcast_in_dim3A_428, %select_n3A_413 : vector<256x2048xi1>, vector<256x2048xf32>
    %reduce_min3A_430 = arith.constant dense<0x7F800000> : vector<256xf32>
    %reduce_min3A_431 = vector.multi_reduction <minimumf>, %select_n3A_429, %reduce_min3A_430 [1] : vector<256x2048xf32> to vector<256xf32>
    %broadcast_in_dim3A_432 = vector.shape_cast %reduce_min3A_431 : vector<256xf32> to vector<256x1xf32>
    %eq3A_433 = vector.broadcast %broadcast_in_dim3A_432 : vector<256x1xf32> to vector<256x2048xf32>
    %eq3A_434 = arith.cmpf oeq, %select_n3A_429, %eq3A_433 : vector<256x2048xf32>
    %jit3A_435 = arith.constant 2048 : i32
    %broadcast_in_dim3A_436 = vector.broadcast %jit3A_435 : i32 to vector<256x2048xi32>
    %select_n3A_437 = arith.select %eq3A_434, %iota3A, %broadcast_in_dim3A_436 : vector<256x2048xi1>, vector<256x2048xi32>
    %reduce_min3A_438 = arith.constant dense<2147483647> : vector<256xi32>
    %reduce_min3A_439 = vector.multi_reduction <minsi>, %select_n3A_437, %reduce_min3A_438 [1] : vector<256x2048xi32> to vector<256xi32>
    %broadcast_in_dim3A_440 = vector.shape_cast %reduce_min3A_439 : vector<256xi32> to vector<256x1xi32>
    %eq3A_441 = vector.broadcast %broadcast_in_dim3A_440 : vector<256x1xi32> to vector<256x2048xi32>
    %eq3A_442 = arith.cmpi eq, %iota3A, %eq3A_441 : vector<256x2048xi32>
    %jit3A_443 = arith.constant 0x7F800000 : f32
    %broadcast_in_dim3A_444 = vector.broadcast %jit3A_443 : f32 to vector<256x2048xf32>
    %select_n3A_445 = arith.select %eq3A_442, %broadcast_in_dim3A_444, %select_n3A_429 : vector<256x2048xi1>, vector<256x2048xf32>
    %reduce_min3A_446 = arith.constant dense<0x7F800000> : vector<256xf32>
    %reduce_min3A_447 = vector.multi_reduction <minimumf>, %select_n3A_445, %reduce_min3A_446 [1] : vector<256x2048xf32> to vector<256xf32>
    %broadcast_in_dim3A_448 = vector.shape_cast %reduce_min3A_447 : vector<256xf32> to vector<256x1xf32>
    %eq3A_449 = vector.broadcast %broadcast_in_dim3A_448 : vector<256x1xf32> to vector<256x2048xf32>
    %eq3A_450 = arith.cmpf oeq, %select_n3A_445, %eq3A_449 : vector<256x2048xf32>
    %jit3A_451 = arith.constant 2048 : i32
    %broadcast_in_dim3A_452 = vector.broadcast %jit3A_451 : i32 to vector<256x2048xi32>
    %select_n3A_453 = arith.select %eq3A_450, %iota3A, %broadcast_in_dim3A_452 : vector<256x2048xi1>, vector<256x2048xi32>
    %reduce_min3A_454 = arith.constant dense<2147483647> : vector<256xi32>
    %reduce_min3A_455 = vector.multi_reduction <minsi>, %select_n3A_453, %reduce_min3A_454 [1] : vector<256x2048xi32> to vector<256xi32>
    %broadcast_in_dim3A_456 = vector.shape_cast %reduce_min3A_455 : vector<256xi32> to vector<256x1xi32>
    %eq3A_457 = vector.broadcast %broadcast_in_dim3A_456 : vector<256x1xi32> to vector<256x2048xi32>
    %eq3A_458 = arith.cmpi eq, %iota3A, %eq3A_457 : vector<256x2048xi32>
    %jit3A_459 = arith.constant 0x7F800000 : f32
    %broadcast_in_dim3A_460 = vector.broadcast %jit3A_459 : f32 to vector<256x2048xf32>
    %select_n3A_461 = arith.select %eq3A_458, %broadcast_in_dim3A_460, %select_n3A_445 : vector<256x2048xi1>, vector<256x2048xf32>
    %reduce_min3A_462 = arith.constant dense<0x7F800000> : vector<256xf32>
    %reduce_min3A_463 = vector.multi_reduction <minimumf>, %select_n3A_461, %reduce_min3A_462 [1] : vector<256x2048xf32> to vector<256xf32>
    %broadcast_in_dim3A_464 = vector.shape_cast %reduce_min3A_463 : vector<256xf32> to vector<256x1xf32>
    %eq3A_465 = vector.broadcast %broadcast_in_dim3A_464 : vector<256x1xf32> to vector<256x2048xf32>
    %eq3A_466 = arith.cmpf oeq, %select_n3A_461, %eq3A_465 : vector<256x2048xf32>
    %jit3A_467 = arith.constant 2048 : i32
    %broadcast_in_dim3A_468 = vector.broadcast %jit3A_467 : i32 to vector<256x2048xi32>
    %select_n3A_469 = arith.select %eq3A_466, %iota3A, %broadcast_in_dim3A_468 : vector<256x2048xi1>, vector<256x2048xi32>
    %reduce_min3A_470 = arith.constant dense<2147483647> : vector<256xi32>
    %reduce_min3A_471 = vector.multi_reduction <minsi>, %select_n3A_469, %reduce_min3A_470 [1] : vector<256x2048xi32> to vector<256xi32>
    %broadcast_in_dim3A_472 = vector.shape_cast %reduce_min3A_471 : vector<256xi32> to vector<256x1xi32>
    %eq3A_473 = vector.broadcast %broadcast_in_dim3A_472 : vector<256x1xi32> to vector<256x2048xi32>
    %eq3A_474 = arith.cmpi eq, %iota3A, %eq3A_473 : vector<256x2048xi32>
    %jit3A_475 = arith.constant 0x7F800000 : f32
    %broadcast_in_dim3A_476 = vector.broadcast %jit3A_475 : f32 to vector<256x2048xf32>
    %select_n3A_477 = arith.select %eq3A_474, %broadcast_in_dim3A_476, %select_n3A_461 : vector<256x2048xi1>, vector<256x2048xf32>
    %reduce_min3A_478 = arith.constant dense<0x7F800000> : vector<256xf32>
    %reduce_min3A_479 = vector.multi_reduction <minimumf>, %select_n3A_477, %reduce_min3A_478 [1] : vector<256x2048xf32> to vector<256xf32>
    %broadcast_in_dim3A_480 = vector.shape_cast %reduce_min3A_479 : vector<256xf32> to vector<256x1xf32>
    %eq3A_481 = vector.broadcast %broadcast_in_dim3A_480 : vector<256x1xf32> to vector<256x2048xf32>
    %eq3A_482 = arith.cmpf oeq, %select_n3A_477, %eq3A_481 : vector<256x2048xf32>
    %jit3A_483 = arith.constant 2048 : i32
    %broadcast_in_dim3A_484 = vector.broadcast %jit3A_483 : i32 to vector<256x2048xi32>
    %select_n3A_485 = arith.select %eq3A_482, %iota3A, %broadcast_in_dim3A_484 : vector<256x2048xi1>, vector<256x2048xi32>
    %reduce_min3A_486 = arith.constant dense<2147483647> : vector<256xi32>
    %reduce_min3A_487 = vector.multi_reduction <minsi>, %select_n3A_485, %reduce_min3A_486 [1] : vector<256x2048xi32> to vector<256xi32>
    %broadcast_in_dim3A_488 = vector.shape_cast %reduce_min3A_487 : vector<256xi32> to vector<256x1xi32>
    %eq3A_489 = vector.broadcast %broadcast_in_dim3A_488 : vector<256x1xi32> to vector<256x2048xi32>
    %eq3A_490 = arith.cmpi eq, %iota3A, %eq3A_489 : vector<256x2048xi32>
    %jit3A_491 = arith.constant 0x7F800000 : f32
    %broadcast_in_dim3A_492 = vector.broadcast %jit3A_491 : f32 to vector<256x2048xf32>
    %select_n3A_493 = arith.select %eq3A_490, %broadcast_in_dim3A_492, %select_n3A_477 : vector<256x2048xi1>, vector<256x2048xf32>
    %reduce_min3A_494 = arith.constant dense<0x7F800000> : vector<256xf32>
    %reduce_min3A_495 = vector.multi_reduction <minimumf>, %select_n3A_493, %reduce_min3A_494 [1] : vector<256x2048xf32> to vector<256xf32>
    %broadcast_in_dim3A_496 = vector.shape_cast %reduce_min3A_495 : vector<256xf32> to vector<256x1xf32>
    %eq3A_497 = vector.broadcast %broadcast_in_dim3A_496 : vector<256x1xf32> to vector<256x2048xf32>
    %eq3A_498 = arith.cmpf oeq, %select_n3A_493, %eq3A_497 : vector<256x2048xf32>
    %jit3A_499 = arith.constant 2048 : i32
    %broadcast_in_dim3A_500 = vector.broadcast %jit3A_499 : i32 to vector<256x2048xi32>
    %select_n3A_501 = arith.select %eq3A_498, %iota3A, %broadcast_in_dim3A_500 : vector<256x2048xi1>, vector<256x2048xi32>
    %reduce_min3A_502 = arith.constant dense<2147483647> : vector<256xi32>
    %reduce_min3A_503 = vector.multi_reduction <minsi>, %select_n3A_501, %reduce_min3A_502 [1] : vector<256x2048xi32> to vector<256xi32>
    %broadcast_in_dim3A_504 = vector.shape_cast %reduce_min3A_503 : vector<256xi32> to vector<256x1xi32>
    %eq3A_505 = vector.broadcast %broadcast_in_dim3A_504 : vector<256x1xi32> to vector<256x2048xi32>
    %eq3A_506 = arith.cmpi eq, %iota3A, %eq3A_505 : vector<256x2048xi32>
    %jit3A_507 = arith.constant 0x7F800000 : f32
    %broadcast_in_dim3A_508 = vector.broadcast %jit3A_507 : f32 to vector<256x2048xf32>
    %select_n3A_509 = arith.select %eq3A_506, %broadcast_in_dim3A_508, %select_n3A_493 : vector<256x2048xi1>, vector<256x2048xf32>
    %reduce_min3A_510 = arith.constant dense<0x7F800000> : vector<256xf32>
    %reduce_min3A_511 = vector.multi_reduction <minimumf>, %select_n3A_509, %reduce_min3A_510 [1] : vector<256x2048xf32> to vector<256xf32>
    %broadcast_in_dim3A_512 = vector.shape_cast %reduce_min3A_511 : vector<256xf32> to vector<256x1xf32>
    %eq3A_513 = vector.broadcast %broadcast_in_dim3A_512 : vector<256x1xf32> to vector<256x2048xf32>
    %eq3A_514 = arith.cmpf oeq, %select_n3A_509, %eq3A_513 : vector<256x2048xf32>
    %jit3A_515 = arith.constant 2048 : i32
    %broadcast_in_dim3A_516 = vector.broadcast %jit3A_515 : i32 to vector<256x2048xi32>
    %select_n3A_517 = arith.select %eq3A_514, %iota3A, %broadcast_in_dim3A_516 : vector<256x2048xi1>, vector<256x2048xi32>
    %reduce_min3A_518 = arith.constant dense<2147483647> : vector<256xi32>
    %reduce_min3A_519 = vector.multi_reduction <minsi>, %select_n3A_517, %reduce_min3A_518 [1] : vector<256x2048xi32> to vector<256xi32>
    %broadcast_in_dim3A_520 = vector.shape_cast %reduce_min3A_519 : vector<256xi32> to vector<256x1xi32>
    %eq3A_521 = vector.broadcast %broadcast_in_dim3A_520 : vector<256x1xi32> to vector<256x2048xi32>
    %eq3A_522 = arith.cmpi eq, %iota3A, %eq3A_521 : vector<256x2048xi32>
    %jit3A_523 = arith.constant 0x7F800000 : f32
    %broadcast_in_dim3A_524 = vector.broadcast %jit3A_523 : f32 to vector<256x2048xf32>
    %select_n3A_525 = arith.select %eq3A_522, %broadcast_in_dim3A_524, %select_n3A_509 : vector<256x2048xi1>, vector<256x2048xf32>
    %reduce_min3A_526 = arith.constant dense<0x7F800000> : vector<256xf32>
    %reduce_min3A_527 = vector.multi_reduction <minimumf>, %select_n3A_525, %reduce_min3A_526 [1] : vector<256x2048xf32> to vector<256xf32>
    %broadcast_in_dim3A_528 = vector.shape_cast %reduce_min3A_527 : vector<256xf32> to vector<256x1xf32>
    %eq3A_529 = vector.broadcast %broadcast_in_dim3A_528 : vector<256x1xf32> to vector<256x2048xf32>
    %eq3A_530 = arith.cmpf oeq, %select_n3A_525, %eq3A_529 : vector<256x2048xf32>
    %jit3A_531 = arith.constant 2048 : i32
    %broadcast_in_dim3A_532 = vector.broadcast %jit3A_531 : i32 to vector<256x2048xi32>
    %select_n3A_533 = arith.select %eq3A_530, %iota3A, %broadcast_in_dim3A_532 : vector<256x2048xi1>, vector<256x2048xi32>
    %reduce_min3A_534 = arith.constant dense<2147483647> : vector<256xi32>
    %reduce_min3A_535 = vector.multi_reduction <minsi>, %select_n3A_533, %reduce_min3A_534 [1] : vector<256x2048xi32> to vector<256xi32>
    %broadcast_in_dim3A_536 = vector.shape_cast %reduce_min3A_535 : vector<256xi32> to vector<256x1xi32>
    %eq3A_537 = vector.broadcast %broadcast_in_dim3A_536 : vector<256x1xi32> to vector<256x2048xi32>
    %eq3A_538 = arith.cmpi eq, %iota3A, %eq3A_537 : vector<256x2048xi32>
    %jit3A_539 = arith.constant 0x7F800000 : f32
    %broadcast_in_dim3A_540 = vector.broadcast %jit3A_539 : f32 to vector<256x2048xf32>
    %select_n3A_541 = arith.select %eq3A_538, %broadcast_in_dim3A_540, %select_n3A_525 : vector<256x2048xi1>, vector<256x2048xf32>
    %reduce_min3A_542 = arith.constant dense<0x7F800000> : vector<256xf32>
    %reduce_min3A_543 = vector.multi_reduction <minimumf>, %select_n3A_541, %reduce_min3A_542 [1] : vector<256x2048xf32> to vector<256xf32>
    %broadcast_in_dim3A_544 = vector.shape_cast %reduce_min3A_543 : vector<256xf32> to vector<256x1xf32>
    %eq3A_545 = vector.broadcast %broadcast_in_dim3A_544 : vector<256x1xf32> to vector<256x2048xf32>
    %eq3A_546 = arith.cmpf oeq, %select_n3A_541, %eq3A_545 : vector<256x2048xf32>
    %jit3A_547 = arith.constant 2048 : i32
    %broadcast_in_dim3A_548 = vector.broadcast %jit3A_547 : i32 to vector<256x2048xi32>
    %select_n3A_549 = arith.select %eq3A_546, %iota3A, %broadcast_in_dim3A_548 : vector<256x2048xi1>, vector<256x2048xi32>
    %reduce_min3A_550 = arith.constant dense<2147483647> : vector<256xi32>
    %reduce_min3A_551 = vector.multi_reduction <minsi>, %select_n3A_549, %reduce_min3A_550 [1] : vector<256x2048xi32> to vector<256xi32>
    %broadcast_in_dim3A_552 = vector.shape_cast %reduce_min3A_551 : vector<256xi32> to vector<256x1xi32>
    %mul3A_553 = arith.constant 2048 : i32
    %mul3A_554 = arith.muli %arg0, %mul3A_553 : i32
    %concatenate3A = tpu.concatenate %broadcast_in_dim3A_56, %broadcast_in_dim3A_72, %broadcast_in_dim3A_88, %broadcast_in_dim3A_104, %broadcast_in_dim3A_120, %broadcast_in_dim3A_136, %broadcast_in_dim3A_152, %broadcast_in_dim3A_168, %broadcast_in_dim3A_184, %broadcast_in_dim3A_200, %broadcast_in_dim3A_216, %broadcast_in_dim3A_232, %broadcast_in_dim3A_248, %broadcast_in_dim3A_264, %broadcast_in_dim3A_280, %broadcast_in_dim3A_296, %broadcast_in_dim3A_312, %broadcast_in_dim3A_328, %broadcast_in_dim3A_344, %broadcast_in_dim3A_360, %broadcast_in_dim3A_376, %broadcast_in_dim3A_392, %broadcast_in_dim3A_408, %broadcast_in_dim3A_424, %broadcast_in_dim3A_440, %broadcast_in_dim3A_456, %broadcast_in_dim3A_472, %broadcast_in_dim3A_488, %broadcast_in_dim3A_504, %broadcast_in_dim3A_520, %broadcast_in_dim3A_536, %broadcast_in_dim3A_552 in 1 : vector<256x1xi32>, vector<256x1xi32>, vector<256x1xi32>, vector<256x1xi32>, vector<256x1xi32>, vector<256x1xi32>, vector<256x1xi32>, vector<256x1xi32>, vector<256x1xi32>, vector<256x1xi32>, vector<256x1xi32>, vector<256x1xi32>, vector<256x1xi32>, vector<256x1xi32>, vector<256x1xi32>, vector<256x1xi32>, vector<256x1xi32>, vector<256x1xi32>, vector<256x1xi32>, vector<256x1xi32>, vector<256x1xi32>, vector<256x1xi32>, vector<256x1xi32>, vector<256x1xi32>, vector<256x1xi32>, vector<256x1xi32>, vector<256x1xi32>, vector<256x1xi32>, vector<256x1xi32>, vector<256x1xi32>, vector<256x1xi32>, vector<256x1xi32> -> vector<256x32xi32>
    %add3A_555 = vector.broadcast %mul3A_554 : i32 to vector<256x32xi32>
    %add3A_556 = arith.addi %concatenate3A, %add3A_555 : vector<256x32xi32>
    %swap3A = arith.constant 0 : index
    %swap3A_557 = arith.constant 0 : index
    %swap3A_558 = arith.constant 0 : index
    %swap3A_559 = vector.load %arg4[%swap3A, %swap3A_557, %swap3A_558] : memref<1x256x32xi32, #tpu.memory_space<vmem>>, vector<1x256x32xi32>
    %swap3A_560 = vector.shape_cast %swap3A_559 : vector<1x256x32xi32> to vector<256x32xi32>
    %swap3A_561 = vector.shape_cast %add3A_556 : vector<256x32xi32> to vector<1x256x32xi32>
    tpu.vector_store %arg4[%swap3A, %swap3A_557, %swap3A_558], %swap3A_561 {strides = array<i32>} : memref<1x256x32xi32, #tpu.memory_space<vmem>>, vector<1x256x32xi32>,
    return
  }
  func.func @transform_0(%arg0: i32, %arg1: i32) -> (i32, i32, i32) {
    %c0_i32 = arith.constant 0 : i32
    %c0_i32_0 = arith.constant 0 : i32
    return %arg0, %arg1, %c0_i32 : i32, i32, i32
  }
  func.func @transform_1(%arg0: i32, %arg1: i32) -> (i32, i32, i32) {
    %c0_i32 = arith.constant 0 : i32
    %c0_i32_0 = arith.constant 0 : i32
    %c0_i32_1 = arith.constant 0 : i32
    return %arg0, %c0_i32, %c0_i32_0 : i32, i32, i32
  }
  func.func @transform_2(%arg0: i32, %arg1: i32) -> (i32, i32, i32) {
    %c0_i32 = arith.constant 0 : i32
    %c0_i32_0 = arith.constant 0 : i32
    return %arg0, %arg1, %c0_i32 : i32, i32, i32
  }
}

module attributes {stable_mosaic.version = 14 : i64} {
  func.func @_attn_kernel(%arg0: i32, %arg1: memref<256x3xf32, #tpu.memory_space<vmem>>, %arg2: memref<256x32x4xf32, #tpu.memory_space<vmem>>, %arg3: memref<3x128xf32, #tpu.memory_space<vmem>>, %arg4: memref<1x128xf32, #tpu.memory_space<vmem>>, %arg5: memref<3x128xf32, #tpu.memory_space<vmem>>, %arg6: memref<1x128xf32, #tpu.memory_space<vmem>>, %arg7: memref<3x128xf32, #tpu.memory_space<vmem>>, %arg8: memref<1x128xf32, #tpu.memory_space<vmem>>, %arg9: memref<3x128xf32, #tpu.memory_space<vmem>>, %arg10: memref<1x128xf32, #tpu.memory_space<vmem>>, %arg11: memref<128x128xf32, #tpu.memory_space<vmem>>, %arg12: memref<1x128xf32, #tpu.memory_space<vmem>>, %arg13: memref<256x128xf32, #tpu.memory_space<vmem>>, %arg14: memref<256x128xf32, #tpu.memory_space<vmem>>) attributes {dimension_semantics = [#tpu.dimension_semantics<arbitrary>], iteration_bounds = array<i64: 64>, scalar_prefetch = 0 : i64, scratch_operands = 0 : i64, tpu.core_type = #tpu.core_type<tc>, window_params = [{transform_indices = @transform_0, window_bounds = array<i64: 256, 3>}, {transform_indices = @transform_1, window_bounds = array<i64: 256, 32, 4>}, {pipeline_mode = #tpu.pipeline_mode<synchronous>, transform_indices = @transform_2, window_bounds = array<i64: 3, 128>}, {pipeline_mode = #tpu.pipeline_mode<synchronous>, transform_indices = @transform_3, window_bounds = array<i64: 1, 128>}, {pipeline_mode = #tpu.pipeline_mode<synchronous>, transform_indices = @transform_4, window_bounds = array<i64: 3, 128>}, {pipeline_mode = #tpu.pipeline_mode<synchronous>, transform_indices = @transform_5, window_bounds = array<i64: 1, 128>}, {pipeline_mode = #tpu.pipeline_mode<synchronous>, transform_indices = @transform_6, window_bounds = array<i64: 3, 128>}, {pipeline_mode = #tpu.pipeline_mode<synchronous>, transform_indices = @transform_7, window_bounds = array<i64: 1, 128>}, {pipeline_mode = #tpu.pipeline_mode<synchronous>, transform_indices = @transform_8, window_bounds = array<i64: 3, 128>}, {pipeline_mode = #tpu.pipeline_mode<synchronous>, transform_indices = @transform_9, window_bounds = array<i64: 1, 128>}, {pipeline_mode = #tpu.pipeline_mode<synchronous>, transform_indices = @transform_10, window_bounds = array<i64: 128, 128>}, {pipeline_mode = #tpu.pipeline_mode<synchronous>, transform_indices = @transform_11, window_bounds = array<i64: 1, 128>}, {transform_indices = @transform_12, window_bounds = array<i64: 256, 128>}, {transform_indices = @transform_13, window_bounds = array<i64: 256, 128>}]} {
    %get3A = arith.constant 0 : index
    %get3A_0 = arith.constant 0 : index
    %get3A_1 = vector.load %arg1[%get3A, %get3A_0] : memref<256x3xf32, #tpu.memory_space<vmem>>, vector<256x3xf32>
    %get3A_2 = arith.constant 0 : index
    %get3A_3 = arith.constant 0 : index
    %get3A_4 = arith.constant 0 : index
    %get3A_5 = vector.load %arg2[%get3A_2, %get3A_3, %get3A_4] : memref<256x32x4xf32, #tpu.memory_space<vmem>>, vector<256x32x4xf32>
    %get3A_6 = arith.constant 0 : index
    %get3A_7 = arith.constant 0 : index
    %get3A_8 = vector.load %arg3[%get3A_6, %get3A_7] : memref<3x128xf32, #tpu.memory_space<vmem>>, vector<3x128xf32>
    %convert_element_type3A = arith.truncf %get3A_8 : vector<3x128xf32> to vector<3x128xbf16>
    %convert_element_type3A_9 = arith.extf %convert_element_type3A : vector<3x128xbf16> to vector<3x128xf32>
    %get3A_10 = arith.constant 0 : index
    %get3A_11 = arith.constant 0 : index
    %get3A_12 = vector.load %arg5[%get3A_10, %get3A_11] : memref<3x128xf32, #tpu.memory_space<vmem>>, vector<3x128xf32>
    %convert_element_type3A_13 = arith.truncf %get3A_12 : vector<3x128xf32> to vector<3x128xbf16>
    %convert_element_type3A_14 = arith.extf %convert_element_type3A_13 : vector<3x128xbf16> to vector<3x128xf32>
    %get3A_15 = arith.constant 0 : index
    %get3A_16 = arith.constant 0 : index
    %get3A_17 = vector.load %arg7[%get3A_15, %get3A_16] : memref<3x128xf32, #tpu.memory_space<vmem>>, vector<3x128xf32>
    %convert_element_type3A_18 = arith.truncf %get3A_17 : vector<3x128xf32> to vector<3x128xbf16>
    %convert_element_type3A_19 = arith.extf %convert_element_type3A_18 : vector<3x128xbf16> to vector<3x128xf32>
    %get3A_20 = arith.constant 0 : index
    %get3A_21 = arith.constant 0 : index
    %get3A_22 = vector.load %arg9[%get3A_20, %get3A_21] : memref<3x128xf32, #tpu.memory_space<vmem>>, vector<3x128xf32>
    %convert_element_type3A_23 = arith.truncf %get3A_22 : vector<3x128xf32> to vector<3x128xbf16>
    %convert_element_type3A_24 = arith.extf %convert_element_type3A_23 : vector<3x128xbf16> to vector<3x128xf32>
    %slice3A = vector.extract_strided_slice %get3A_1 {offsets = [0, 0], sizes = [256, 1], strides = [1, 1]} : vector<256x3xf32> to vector<256x1xf32>
    %convert_element_type3A_25 = arith.truncf %slice3A : vector<256x1xf32> to vector<256x1xbf16>
    %convert_element_type3A_26 = arith.extf %convert_element_type3A_25 : vector<256x1xbf16> to vector<256x1xf32>
    %slice3A_27 = vector.extract_strided_slice %convert_element_type3A_9 {offsets = [0, 0], sizes = [1, 128], strides = [1, 1]} : vector<3x128xf32> to vector<1x128xf32>
    %mul3A = vector.broadcast %convert_element_type3A_26 : vector<256x1xf32> to vector<256x128xf32>
    %mul3A_28 = vector.broadcast %slice3A_27 : vector<1x128xf32> to vector<256x128xf32>
    %mul3A_29 = arith.mulf %mul3A, %mul3A_28 : vector<256x128xf32>
    %add3A = arith.constant 0.000000e+00 : f32
    %add3A_30 = vector.broadcast %add3A : f32 to vector<256x128xf32>
    %add3A_31 = arith.addf %add3A_30, %mul3A_29 : vector<256x128xf32>
    %slice3A_32 = vector.extract_strided_slice %convert_element_type3A_24 {offsets = [0, 0], sizes = [1, 128], strides = [1, 1]} : vector<3x128xf32> to vector<1x128xf32>
    %mul3A_33 = vector.broadcast %convert_element_type3A_26 : vector<256x1xf32> to vector<256x128xf32>
    %mul3A_34 = vector.broadcast %slice3A_32 : vector<1x128xf32> to vector<256x128xf32>
    %mul3A_35 = arith.mulf %mul3A_33, %mul3A_34 : vector<256x128xf32>
    %add3A_36 = arith.constant 0.000000e+00 : f32
    %add3A_37 = vector.broadcast %add3A_36 : f32 to vector<256x128xf32>
    %add3A_38 = arith.addf %add3A_37, %mul3A_35 : vector<256x128xf32>
    %slice3A_39 = vector.extract_strided_slice %get3A_5 {offsets = [0, 0, 0], sizes = [256, 32, 1], strides = [1, 1, 1]} : vector<256x32x4xf32> to vector<256x32x1xf32>
    %broadcast_in_dim3A = vector.shape_cast %slice3A : vector<256x1xf32> to vector<256x1x1xf32>
    %sub3A = vector.broadcast %broadcast_in_dim3A : vector<256x1x1xf32> to vector<256x32x1xf32>
    %sub3A_40 = arith.subf %slice3A_39, %sub3A : vector<256x32x1xf32>
    %convert_element_type3A_41 = arith.truncf %sub3A_40 : vector<256x32x1xf32> to vector<256x32x1xbf16>
    %convert_element_type3A_42 = arith.extf %convert_element_type3A_41 : vector<256x32x1xbf16> to vector<256x32x1xf32>
    %slice3A_43 = vector.extract_strided_slice %convert_element_type3A_14 {offsets = [0, 0], sizes = [1, 128], strides = [1, 1]} : vector<3x128xf32> to vector<1x128xf32>
    %broadcast_in_dim3A_44 = vector.shape_cast %slice3A_43 : vector<1x128xf32> to vector<1x1x128xf32>
    %mul3A_45 = vector.broadcast %convert_element_type3A_42 : vector<256x32x1xf32> to vector<256x32x128xf32>
    %mul3A_46 = vector.broadcast %broadcast_in_dim3A_44 : vector<1x1x128xf32> to vector<256x32x128xf32>
    %mul3A_47 = arith.mulf %mul3A_45, %mul3A_46 : vector<256x32x128xf32>
    %add3A_48 = arith.constant 0.000000e+00 : f32
    %add3A_49 = vector.broadcast %add3A_48 : f32 to vector<256x32x128xf32>
    %add3A_50 = arith.addf %add3A_49, %mul3A_47 : vector<256x32x128xf32>
    %slice3A_51 = vector.extract_strided_slice %convert_element_type3A_19 {offsets = [0, 0], sizes = [1, 128], strides = [1, 1]} : vector<3x128xf32> to vector<1x128xf32>
    %broadcast_in_dim3A_52 = vector.shape_cast %slice3A_51 : vector<1x128xf32> to vector<1x1x128xf32>
    %mul3A_53 = vector.broadcast %convert_element_type3A_42 : vector<256x32x1xf32> to vector<256x32x128xf32>
    %mul3A_54 = vector.broadcast %broadcast_in_dim3A_52 : vector<1x1x128xf32> to vector<256x32x128xf32>
    %mul3A_55 = arith.mulf %mul3A_53, %mul3A_54 : vector<256x32x128xf32>
    %add3A_56 = arith.constant 0.000000e+00 : f32
    %add3A_57 = vector.broadcast %add3A_56 : f32 to vector<256x32x128xf32>
    %add3A_58 = arith.addf %add3A_57, %mul3A_55 : vector<256x32x128xf32>
    %slice3A_59 = vector.extract_strided_slice %get3A_1 {offsets = [0, 1], sizes = [256, 1], strides = [1, 1]} : vector<256x3xf32> to vector<256x1xf32>
    %convert_element_type3A_60 = arith.truncf %slice3A_59 : vector<256x1xf32> to vector<256x1xbf16>
    %convert_element_type3A_61 = arith.extf %convert_element_type3A_60 : vector<256x1xbf16> to vector<256x1xf32>
    %slice3A_62 = vector.extract_strided_slice %convert_element_type3A_9 {offsets = [1, 0], sizes = [1, 128], strides = [1, 1]} : vector<3x128xf32> to vector<1x128xf32>
    %mul3A_63 = vector.broadcast %convert_element_type3A_61 : vector<256x1xf32> to vector<256x128xf32>
    %mul3A_64 = vector.broadcast %slice3A_62 : vector<1x128xf32> to vector<256x128xf32>
    %mul3A_65 = arith.mulf %mul3A_63, %mul3A_64 : vector<256x128xf32>
    %add3A_66 = arith.addf %add3A_31, %mul3A_65 : vector<256x128xf32>
    %slice3A_67 = vector.extract_strided_slice %convert_element_type3A_24 {offsets = [1, 0], sizes = [1, 128], strides = [1, 1]} : vector<3x128xf32> to vector<1x128xf32>
    %mul3A_68 = vector.broadcast %convert_element_type3A_61 : vector<256x1xf32> to vector<256x128xf32>
    %mul3A_69 = vector.broadcast %slice3A_67 : vector<1x128xf32> to vector<256x128xf32>
    %mul3A_70 = arith.mulf %mul3A_68, %mul3A_69 : vector<256x128xf32>
    %add3A_71 = arith.addf %add3A_38, %mul3A_70 : vector<256x128xf32>
    %slice3A_72 = vector.extract_strided_slice %get3A_5 {offsets = [0, 0, 1], sizes = [256, 32, 1], strides = [1, 1, 1]} : vector<256x32x4xf32> to vector<256x32x1xf32>
    %broadcast_in_dim3A_73 = vector.shape_cast %slice3A_59 : vector<256x1xf32> to vector<256x1x1xf32>
    %sub3A_74 = vector.broadcast %broadcast_in_dim3A_73 : vector<256x1x1xf32> to vector<256x32x1xf32>
    %sub3A_75 = arith.subf %slice3A_72, %sub3A_74 : vector<256x32x1xf32>
    %convert_element_type3A_76 = arith.truncf %sub3A_75 : vector<256x32x1xf32> to vector<256x32x1xbf16>
    %convert_element_type3A_77 = arith.extf %convert_element_type3A_76 : vector<256x32x1xbf16> to vector<256x32x1xf32>
    %slice3A_78 = vector.extract_strided_slice %convert_element_type3A_14 {offsets = [1, 0], sizes = [1, 128], strides = [1, 1]} : vector<3x128xf32> to vector<1x128xf32>
    %broadcast_in_dim3A_79 = vector.shape_cast %slice3A_78 : vector<1x128xf32> to vector<1x1x128xf32>
    %mul3A_80 = vector.broadcast %convert_element_type3A_77 : vector<256x32x1xf32> to vector<256x32x128xf32>
    %mul3A_81 = vector.broadcast %broadcast_in_dim3A_79 : vector<1x1x128xf32> to vector<256x32x128xf32>
    %mul3A_82 = arith.mulf %mul3A_80, %mul3A_81 : vector<256x32x128xf32>
    %add3A_83 = arith.addf %add3A_50, %mul3A_82 : vector<256x32x128xf32>
    %slice3A_84 = vector.extract_strided_slice %convert_element_type3A_19 {offsets = [1, 0], sizes = [1, 128], strides = [1, 1]} : vector<3x128xf32> to vector<1x128xf32>
    %broadcast_in_dim3A_85 = vector.shape_cast %slice3A_84 : vector<1x128xf32> to vector<1x1x128xf32>
    %mul3A_86 = vector.broadcast %convert_element_type3A_77 : vector<256x32x1xf32> to vector<256x32x128xf32>
    %mul3A_87 = vector.broadcast %broadcast_in_dim3A_85 : vector<1x1x128xf32> to vector<256x32x128xf32>
    %mul3A_88 = arith.mulf %mul3A_86, %mul3A_87 : vector<256x32x128xf32>
    %add3A_89 = arith.addf %add3A_58, %mul3A_88 : vector<256x32x128xf32>
    %slice3A_90 = vector.extract_strided_slice %get3A_1 {offsets = [0, 2], sizes = [256, 1], strides = [1, 1]} : vector<256x3xf32> to vector<256x1xf32>
    %convert_element_type3A_91 = arith.truncf %slice3A_90 : vector<256x1xf32> to vector<256x1xbf16>
    %convert_element_type3A_92 = arith.extf %convert_element_type3A_91 : vector<256x1xbf16> to vector<256x1xf32>
    %slice3A_93 = vector.extract_strided_slice %convert_element_type3A_9 {offsets = [2, 0], sizes = [1, 128], strides = [1, 1]} : vector<3x128xf32> to vector<1x128xf32>
    %mul3A_94 = vector.broadcast %convert_element_type3A_92 : vector<256x1xf32> to vector<256x128xf32>
    %mul3A_95 = vector.broadcast %slice3A_93 : vector<1x128xf32> to vector<256x128xf32>
    %mul3A_96 = arith.mulf %mul3A_94, %mul3A_95 : vector<256x128xf32>
    %add3A_97 = arith.addf %add3A_66, %mul3A_96 : vector<256x128xf32>
    %slice3A_98 = vector.extract_strided_slice %convert_element_type3A_24 {offsets = [2, 0], sizes = [1, 128], strides = [1, 1]} : vector<3x128xf32> to vector<1x128xf32>
    %mul3A_99 = vector.broadcast %convert_element_type3A_92 : vector<256x1xf32> to vector<256x128xf32>
    %mul3A_100 = vector.broadcast %slice3A_98 : vector<1x128xf32> to vector<256x128xf32>
    %mul3A_101 = arith.mulf %mul3A_99, %mul3A_100 : vector<256x128xf32>
    %add3A_102 = arith.addf %add3A_71, %mul3A_101 : vector<256x128xf32>
    %slice3A_103 = vector.extract_strided_slice %get3A_5 {offsets = [0, 0, 2], sizes = [256, 32, 1], strides = [1, 1, 1]} : vector<256x32x4xf32> to vector<256x32x1xf32>
    %broadcast_in_dim3A_104 = vector.shape_cast %slice3A_90 : vector<256x1xf32> to vector<256x1x1xf32>
    %sub3A_105 = vector.broadcast %broadcast_in_dim3A_104 : vector<256x1x1xf32> to vector<256x32x1xf32>
    %sub3A_106 = arith.subf %slice3A_103, %sub3A_105 : vector<256x32x1xf32>
    %convert_element_type3A_107 = arith.truncf %sub3A_106 : vector<256x32x1xf32> to vector<256x32x1xbf16>
    %convert_element_type3A_108 = arith.extf %convert_element_type3A_107 : vector<256x32x1xbf16> to vector<256x32x1xf32>
    %slice3A_109 = vector.extract_strided_slice %convert_element_type3A_14 {offsets = [2, 0], sizes = [1, 128], strides = [1, 1]} : vector<3x128xf32> to vector<1x128xf32>
    %broadcast_in_dim3A_110 = vector.shape_cast %slice3A_109 : vector<1x128xf32> to vector<1x1x128xf32>
    %mul3A_111 = vector.broadcast %convert_element_type3A_108 : vector<256x32x1xf32> to vector<256x32x128xf32>
    %mul3A_112 = vector.broadcast %broadcast_in_dim3A_110 : vector<1x1x128xf32> to vector<256x32x128xf32>
    %mul3A_113 = arith.mulf %mul3A_111, %mul3A_112 : vector<256x32x128xf32>
    %add3A_114 = arith.addf %add3A_83, %mul3A_113 : vector<256x32x128xf32>
    %slice3A_115 = vector.extract_strided_slice %convert_element_type3A_19 {offsets = [2, 0], sizes = [1, 128], strides = [1, 1]} : vector<3x128xf32> to vector<1x128xf32>
    %broadcast_in_dim3A_116 = vector.shape_cast %slice3A_115 : vector<1x128xf32> to vector<1x1x128xf32>
    %mul3A_117 = vector.broadcast %convert_element_type3A_108 : vector<256x32x1xf32> to vector<256x32x128xf32>
    %mul3A_118 = vector.broadcast %broadcast_in_dim3A_116 : vector<1x1x128xf32> to vector<256x32x128xf32>
    %mul3A_119 = arith.mulf %mul3A_117, %mul3A_118 : vector<256x32x128xf32>
    %add3A_120 = arith.addf %add3A_89, %mul3A_119 : vector<256x32x128xf32>
    %get3A_121 = arith.constant 0 : index
    %get3A_122 = arith.constant 0 : index
    %get3A_123 = vector.load %arg4[%get3A_121, %get3A_122] : memref<1x128xf32, #tpu.memory_space<vmem>>, vector<1x128xf32>
    %add3A_124 = vector.broadcast %get3A_123 : vector<1x128xf32> to vector<256x128xf32>
    %add3A_125 = arith.addf %add3A_97, %add3A_124 : vector<256x128xf32>
    %get3A_126 = arith.constant 0 : index
    %get3A_127 = arith.constant 0 : index
    %get3A_128 = vector.load %arg10[%get3A_126, %get3A_127] : memref<1x128xf32, #tpu.memory_space<vmem>>, vector<1x128xf32>
    %add3A_129 = vector.broadcast %get3A_128 : vector<1x128xf32> to vector<256x128xf32>
    %add3A_130 = arith.addf %add3A_102, %add3A_129 : vector<256x128xf32>
    %get3A_131 = arith.constant 0 : index
    %get3A_132 = arith.constant 0 : index
    %get3A_133 = vector.load %arg6[%get3A_131, %get3A_132] : memref<1x128xf32, #tpu.memory_space<vmem>>, vector<1x128xf32>
    %broadcast_in_dim3A_134 = vector.shape_cast %get3A_133 : vector<1x128xf32> to vector<1x1x128xf32>
    %add3A_135 = vector.broadcast %broadcast_in_dim3A_134 : vector<1x1x128xf32> to vector<256x32x128xf32>
    %add3A_136 = arith.addf %add3A_114, %add3A_135 : vector<256x32x128xf32>
    %get3A_137 = arith.constant 0 : index
    %get3A_138 = arith.constant 0 : index
    %get3A_139 = vector.load %arg8[%get3A_137, %get3A_138] : memref<1x128xf32, #tpu.memory_space<vmem>>, vector<1x128xf32>
    %broadcast_in_dim3A_140 = vector.shape_cast %get3A_139 : vector<1x128xf32> to vector<1x1x128xf32>
    %add3A_141 = vector.broadcast %broadcast_in_dim3A_140 : vector<1x1x128xf32> to vector<256x32x128xf32>
    %add3A_142 = arith.addf %add3A_120, %add3A_141 : vector<256x32x128xf32>
    %broadcast_in_dim3A_143 = vector.shape_cast %add3A_125 : vector<256x128xf32> to vector<256x1x128xf32>
    %sub3A_144 = vector.broadcast %broadcast_in_dim3A_143 : vector<256x1x128xf32> to vector<256x32x128xf32>
    %sub3A_145 = arith.subf %sub3A_144, %add3A_136 : vector<256x32x128xf32>
    %div3A = arith.constant 11.3137083 : f32
    %div3A_146 = vector.broadcast %div3A : f32 to vector<256x32x128xf32>
    %div3A_147 = arith.divf %sub3A_145, %div3A_146 : vector<256x32x128xf32>
    %reduce_max3A = arith.constant dense<0xFF800000> : vector<256x128xf32>
    %reduce_max3A_148 = vector.multi_reduction <maximumf>, %div3A_147, %reduce_max3A [1] : vector<256x32x128xf32> to vector<256x128xf32>
    %broadcast_in_dim3A_149 = vector.shape_cast %reduce_max3A_148 : vector<256x128xf32> to vector<256x1x128xf32>
    %sub3A_150 = vector.broadcast %broadcast_in_dim3A_149 : vector<256x1x128xf32> to vector<256x32x128xf32>
    %sub3A_151 = arith.subf %div3A_147, %sub3A_150 : vector<256x32x128xf32>
    %exp3A = math.exp %sub3A_151 : vector<256x32x128xf32>
    %reduce_sum3A = arith.constant dense<0.000000e+00> : vector<256x128xf32>
    %reduce_sum3A_152 = vector.multi_reduction <add>, %exp3A, %reduce_sum3A [1] : vector<256x32x128xf32> to vector<256x128xf32>
    %broadcast_in_dim3A_153 = vector.shape_cast %reduce_sum3A_152 : vector<256x128xf32> to vector<256x1x128xf32>
    %div3A_154 = vector.broadcast %broadcast_in_dim3A_153 : vector<256x1x128xf32> to vector<256x32x128xf32>
    %div3A_155 = arith.divf %exp3A, %div3A_154 : vector<256x32x128xf32>
    %reduce_sum3A_156 = arith.constant dense<0.000000e+00> : vector<256x128xf32>
    %reduce_sum3A_157 = vector.multi_reduction <add>, %div3A_155, %reduce_sum3A_156 [1] : vector<256x32x128xf32> to vector<256x128xf32>
    %broadcast_in_dim3A_158 = vector.shape_cast %reduce_sum3A_157 : vector<256x128xf32> to vector<256x1x128xf32>
    %sub3A_159 = vector.broadcast %broadcast_in_dim3A_158 : vector<256x1x128xf32> to vector<256x32x128xf32>
    %sub3A_160 = arith.subf %div3A_155, %sub3A_159 : vector<256x32x128xf32>
    %mul3A_161 = arith.mulf %sub3A_160, %add3A_142 : vector<256x32x128xf32>
    %reduce_max3A_162 = arith.constant dense<0xFF800000> : vector<256x128xf32>
    %reduce_max3A_163 = vector.multi_reduction <maximumf>, %mul3A_161, %reduce_max3A_162 [1] : vector<256x32x128xf32> to vector<256x128xf32>
    %swap3A = arith.constant 0 : index
    %swap3A_164 = arith.constant 0 : index
    %swap3A_165 = vector.load %arg13[%swap3A, %swap3A_164] : memref<256x128xf32, #tpu.memory_space<vmem>>, vector<256x128xf32>
    tpu.vector_store %arg13[%swap3A, %swap3A_164], %add3A_130 {strides = array<i32>} : memref<256x128xf32, #tpu.memory_space<vmem>>, vector<256x128xf32>,
    %convert_element_type3A_166 = arith.truncf %reduce_max3A_163 : vector<256x128xf32> to vector<256x128xbf16>
    %get3A_167 = arith.constant 0 : index
    %get3A_168 = arith.constant 0 : index
    %get3A_169 = vector.load %arg11[%get3A_167, %get3A_168] : memref<128x128xf32, #tpu.memory_space<vmem>>, vector<128x128xf32>
    %convert_element_type3A_170 = arith.truncf %get3A_169 : vector<128x128xf32> to vector<128x128xbf16>
    %dot_general3A = arith.constant dense<0.000000e+00> : vector<256x128xf32>
    %dot_general3A_171 = tpu.matmul %convert_element_type3A_166, %convert_element_type3A_170, %dot_general3A {dimension_numbers = #tpu.dot_dimension_numbers<[1], [0], [0], [1], [0, 0, 1, 1], [], []>, transpose_lhs_hint = false} : vector<256x128xbf16>, vector<128x128xbf16>, vector<256x128xf32> -> vector<256x128xf32>
    %get3A_172 = arith.constant 0 : index
    %get3A_173 = arith.constant 0 : index
    %get3A_174 = vector.load %arg12[%get3A_172, %get3A_173] : memref<1x128xf32, #tpu.memory_space<vmem>>, vector<1x128xf32>
    %add3A_175 = vector.broadcast %get3A_174 : vector<1x128xf32> to vector<256x128xf32>
    %add3A_176 = arith.addf %dot_general3A_171, %add3A_175 : vector<256x128xf32>
    %swap3A_177 = arith.constant 0 : index
    %swap3A_178 = arith.constant 0 : index
    %swap3A_179 = vector.load %arg14[%swap3A_177, %swap3A_178] : memref<256x128xf32, #tpu.memory_space<vmem>>, vector<256x128xf32>
    tpu.vector_store %arg14[%swap3A_177, %swap3A_178], %add3A_176 {strides = array<i32>} : memref<256x128xf32, #tpu.memory_space<vmem>>, vector<256x128xf32>,
    return
  }
  func.func @transform_0(%arg0: i32) -> (i32, i32) {
    %c0_i32 = arith.constant 0 : i32
    %c0_i32_0 = arith.constant 0 : i32
    return %arg0, %c0_i32 : i32, i32
  }
  func.func @transform_1(%arg0: i32) -> (i32, i32, i32) {
    %c0_i32 = arith.constant 0 : i32
    %c0_i32_0 = arith.constant 0 : i32
    %c0_i32_1 = arith.constant 0 : i32
    return %arg0, %c0_i32, %c0_i32_0 : i32, i32, i32
  }
  func.func @transform_2(%arg0: i32) -> (i32, i32) {
    %c0_i32 = arith.constant 0 : i32
    %c0_i32_0 = arith.constant 0 : i32
    %c0_i32_1 = arith.constant 0 : i32
    return %c0_i32, %c0_i32_0 : i32, i32
  }
  func.func @transform_3(%arg0: i32) -> (i32, i32) {
    %c0_i32 = arith.constant 0 : i32
    %c0_i32_0 = arith.constant 0 : i32
    %c0_i32_1 = arith.constant 0 : i32
    return %c0_i32, %c0_i32_0 : i32, i32
  }
  func.func @transform_4(%arg0: i32) -> (i32, i32) {
    %c0_i32 = arith.constant 0 : i32
    %c0_i32_0 = arith.constant 0 : i32
    %c0_i32_1 = arith.constant 0 : i32
    return %c0_i32, %c0_i32_0 : i32, i32
  }
  func.func @transform_5(%arg0: i32) -> (i32, i32) {
    %c0_i32 = arith.constant 0 : i32
    %c0_i32_0 = arith.constant 0 : i32
    %c0_i32_1 = arith.constant 0 : i32
    return %c0_i32, %c0_i32_0 : i32, i32
  }
  func.func @transform_6(%arg0: i32) -> (i32, i32) {
    %c0_i32 = arith.constant 0 : i32
    %c0_i32_0 = arith.constant 0 : i32
    %c0_i32_1 = arith.constant 0 : i32
    return %c0_i32, %c0_i32_0 : i32, i32
  }
  func.func @transform_7(%arg0: i32) -> (i32, i32) {
    %c0_i32 = arith.constant 0 : i32
    %c0_i32_0 = arith.constant 0 : i32
    %c0_i32_1 = arith.constant 0 : i32
    return %c0_i32, %c0_i32_0 : i32, i32
  }
  func.func @transform_8(%arg0: i32) -> (i32, i32) {
    %c0_i32 = arith.constant 0 : i32
    %c0_i32_0 = arith.constant 0 : i32
    %c0_i32_1 = arith.constant 0 : i32
    return %c0_i32, %c0_i32_0 : i32, i32
  }
  func.func @transform_9(%arg0: i32) -> (i32, i32) {
    %c0_i32 = arith.constant 0 : i32
    %c0_i32_0 = arith.constant 0 : i32
    %c0_i32_1 = arith.constant 0 : i32
    return %c0_i32, %c0_i32_0 : i32, i32
  }
  func.func @transform_10(%arg0: i32) -> (i32, i32) {
    %c0_i32 = arith.constant 0 : i32
    %c0_i32_0 = arith.constant 0 : i32
    %c0_i32_1 = arith.constant 0 : i32
    return %c0_i32, %c0_i32_0 : i32, i32
  }
  func.func @transform_11(%arg0: i32) -> (i32, i32) {
    %c0_i32 = arith.constant 0 : i32
    %c0_i32_0 = arith.constant 0 : i32
    %c0_i32_1 = arith.constant 0 : i32
    return %c0_i32, %c0_i32_0 : i32, i32
  }
  func.func @transform_12(%arg0: i32) -> (i32, i32) {
    %c0_i32 = arith.constant 0 : i32
    %c0_i32_0 = arith.constant 0 : i32
    return %arg0, %c0_i32 : i32, i32
  }
  func.func @transform_13(%arg0: i32) -> (i32, i32) {
    %c0_i32 = arith.constant 0 : i32
    %c0_i32_0 = arith.constant 0 : i32
    return %arg0, %c0_i32 : i32, i32
  }
}

module attributes {stable_mosaic.version = 14 : i64} {
  func.func @_bn_kernel(%arg0: memref<16384x128xf32, #tpu.memory_space<vmem>>, %arg1: memref<16384x128xf32, #tpu.memory_space<vmem>>, %arg2: memref<1x128xf32, #tpu.memory_space<vmem>>, %arg3: memref<1x128xf32, #tpu.memory_space<vmem>>, %arg4: memref<1x128xf32, #tpu.memory_space<vmem>>, %arg5: memref<1x128xf32, #tpu.memory_space<vmem>>, %arg6: memref<16384x128xf32, #tpu.memory_space<vmem>>) attributes {dimension_semantics = [], scalar_prefetch = 0 : i64, scratch_operands = 0 : i64, tpu.core_type = #tpu.core_type<tc>} {
    %get3A = arith.constant 0 : index
    %get3A_0 = arith.constant 0 : index
    %get3A_1 = vector.load %arg0[%get3A, %get3A_0] : memref<16384x128xf32, #tpu.memory_space<vmem>>, vector<16384x128xf32>
    %get3A_2 = arith.constant 0 : index
    %get3A_3 = arith.constant 0 : index
    %get3A_4 = vector.load %arg2[%get3A_2, %get3A_3] : memref<1x128xf32, #tpu.memory_space<vmem>>, vector<1x128xf32>
    %get3A_5 = arith.constant 0 : index
    %get3A_6 = arith.constant 0 : index
    %get3A_7 = vector.load %arg3[%get3A_5, %get3A_6] : memref<1x128xf32, #tpu.memory_space<vmem>>, vector<1x128xf32>
    %reduce_sum3A = arith.constant dense<0.000000e+00> : vector<128xf32>
    %reduce_sum3A_8 = vector.multi_reduction <add>, %get3A_1, %reduce_sum3A [0] : vector<16384x128xf32> to vector<128xf32>
    %broadcast_in_dim3A = vector.shape_cast %reduce_sum3A_8 : vector<128xf32> to vector<1x128xf32>
    %div3A = arith.constant 1.638400e+04 : f32
    %div3A_9 = vector.broadcast %div3A : f32 to vector<1x128xf32>
    %div3A_10 = arith.divf %broadcast_in_dim3A, %div3A_9 : vector<1x128xf32>
    %sub3A = vector.broadcast %div3A_10 : vector<1x128xf32> to vector<16384x128xf32>
    %sub3A_11 = arith.subf %get3A_1, %sub3A : vector<16384x128xf32>
    %integer_pow3A = arith.mulf %sub3A_11, %sub3A_11 : vector<16384x128xf32>
    %reduce_sum3A_12 = arith.constant dense<0.000000e+00> : vector<128xf32>
    %reduce_sum3A_13 = vector.multi_reduction <add>, %integer_pow3A, %reduce_sum3A_12 [0] : vector<16384x128xf32> to vector<128xf32>
    %broadcast_in_dim3A_14 = vector.shape_cast %reduce_sum3A_13 : vector<128xf32> to vector<1x128xf32>
    %div3A_15 = arith.constant 1.638400e+04 : f32
    %div3A_16 = vector.broadcast %div3A_15 : f32 to vector<1x128xf32>
    %div3A_17 = arith.divf %broadcast_in_dim3A_14, %div3A_16 : vector<1x128xf32>
    %sub3A_18 = vector.broadcast %div3A_10 : vector<1x128xf32> to vector<16384x128xf32>
    %sub3A_19 = arith.subf %get3A_1, %sub3A_18 : vector<16384x128xf32>
    %mul3A = vector.broadcast %get3A_4 : vector<1x128xf32> to vector<16384x128xf32>
    %mul3A_20 = arith.mulf %mul3A, %sub3A_19 : vector<16384x128xf32>
    %add3A = arith.constant 9.99999974E-6 : f32
    %add3A_21 = vector.broadcast %add3A : f32 to vector<1x128xf32>
    %add3A_22 = arith.addf %div3A_17, %add3A_21 : vector<1x128xf32>
    %sqrt3A = math.sqrt %add3A_22 : vector<1x128xf32>
    %div3A_23 = vector.broadcast %sqrt3A : vector<1x128xf32> to vector<16384x128xf32>
    %div3A_24 = arith.divf %mul3A_20, %div3A_23 : vector<16384x128xf32>
    %add3A_25 = vector.broadcast %get3A_7 : vector<1x128xf32> to vector<16384x128xf32>
    %add3A_26 = arith.addf %div3A_24, %add3A_25 : vector<16384x128xf32>
    %ge3A = arith.constant 0.000000e+00 : f32
    %ge3A_27 = vector.broadcast %ge3A : f32 to vector<16384x128xf32>
    %ge3A_28 = arith.cmpf oge, %add3A_26, %ge3A_27 : vector<16384x128xf32>
    %mul3A_29 = arith.constant 2.000000e-01 : f32
    %mul3A_30 = vector.broadcast %mul3A_29 : f32 to vector<16384x128xf32>
    %mul3A_31 = arith.mulf %mul3A_30, %add3A_26 : vector<16384x128xf32>
    %select_n3A = arith.select %ge3A_28, %add3A_26, %mul3A_31 : vector<16384x128xi1>, vector<16384x128xf32>
    %get3A_32 = arith.constant 0 : index
    %get3A_33 = arith.constant 0 : index
    %get3A_34 = vector.load %arg1[%get3A_32, %get3A_33] : memref<16384x128xf32, #tpu.memory_space<vmem>>, vector<16384x128xf32>
    %get3A_35 = arith.constant 0 : index
    %get3A_36 = arith.constant 0 : index
    %get3A_37 = vector.load %arg4[%get3A_35, %get3A_36] : memref<1x128xf32, #tpu.memory_space<vmem>>, vector<1x128xf32>
    %get3A_38 = arith.constant 0 : index
    %get3A_39 = arith.constant 0 : index
    %get3A_40 = vector.load %arg5[%get3A_38, %get3A_39] : memref<1x128xf32, #tpu.memory_space<vmem>>, vector<1x128xf32>
    %reduce_sum3A_41 = arith.constant dense<0.000000e+00> : vector<128xf32>
    %reduce_sum3A_42 = vector.multi_reduction <add>, %get3A_34, %reduce_sum3A_41 [0] : vector<16384x128xf32> to vector<128xf32>
    %broadcast_in_dim3A_43 = vector.shape_cast %reduce_sum3A_42 : vector<128xf32> to vector<1x128xf32>
    %div3A_44 = arith.constant 1.638400e+04 : f32
    %div3A_45 = vector.broadcast %div3A_44 : f32 to vector<1x128xf32>
    %div3A_46 = arith.divf %broadcast_in_dim3A_43, %div3A_45 : vector<1x128xf32>
    %sub3A_47 = vector.broadcast %div3A_46 : vector<1x128xf32> to vector<16384x128xf32>
    %sub3A_48 = arith.subf %get3A_34, %sub3A_47 : vector<16384x128xf32>
    %integer_pow3A_49 = arith.mulf %sub3A_48, %sub3A_48 : vector<16384x128xf32>
    %reduce_sum3A_50 = arith.constant dense<0.000000e+00> : vector<128xf32>
    %reduce_sum3A_51 = vector.multi_reduction <add>, %integer_pow3A_49, %reduce_sum3A_50 [0] : vector<16384x128xf32> to vector<128xf32>
    %broadcast_in_dim3A_52 = vector.shape_cast %reduce_sum3A_51 : vector<128xf32> to vector<1x128xf32>
    %div3A_53 = arith.constant 1.638400e+04 : f32
    %div3A_54 = vector.broadcast %div3A_53 : f32 to vector<1x128xf32>
    %div3A_55 = arith.divf %broadcast_in_dim3A_52, %div3A_54 : vector<1x128xf32>
    %sub3A_56 = vector.broadcast %div3A_46 : vector<1x128xf32> to vector<16384x128xf32>
    %sub3A_57 = arith.subf %get3A_34, %sub3A_56 : vector<16384x128xf32>
    %mul3A_58 = vector.broadcast %get3A_37 : vector<1x128xf32> to vector<16384x128xf32>
    %mul3A_59 = arith.mulf %mul3A_58, %sub3A_57 : vector<16384x128xf32>
    %add3A_60 = arith.constant 9.99999974E-6 : f32
    %add3A_61 = vector.broadcast %add3A_60 : f32 to vector<1x128xf32>
    %add3A_62 = arith.addf %div3A_55, %add3A_61 : vector<1x128xf32>
    %sqrt3A_63 = math.sqrt %add3A_62 : vector<1x128xf32>
    %div3A_64 = vector.broadcast %sqrt3A_63 : vector<1x128xf32> to vector<16384x128xf32>
    %div3A_65 = arith.divf %mul3A_59, %div3A_64 : vector<16384x128xf32>
    %add3A_66 = vector.broadcast %get3A_40 : vector<1x128xf32> to vector<16384x128xf32>
    %add3A_67 = arith.addf %div3A_65, %add3A_66 : vector<16384x128xf32>
    %ge3A_68 = arith.constant 0.000000e+00 : f32
    %ge3A_69 = vector.broadcast %ge3A_68 : f32 to vector<16384x128xf32>
    %ge3A_70 = arith.cmpf oge, %add3A_67, %ge3A_69 : vector<16384x128xf32>
    %mul3A_71 = arith.constant 2.000000e-01 : f32
    %mul3A_72 = vector.broadcast %mul3A_71 : f32 to vector<16384x128xf32>
    %mul3A_73 = arith.mulf %mul3A_72, %add3A_67 : vector<16384x128xf32>
    %select_n3A_74 = arith.select %ge3A_70, %add3A_67, %mul3A_73 : vector<16384x128xi1>, vector<16384x128xf32>
    %add3A_75 = arith.addf %select_n3A, %select_n3A_74 : vector<16384x128xf32>
    %swap3A = arith.constant 0 : index
    %swap3A_76 = arith.constant 0 : index
    %swap3A_77 = vector.load %arg6[%swap3A, %swap3A_76] : memref<16384x128xf32, #tpu.memory_space<vmem>>, vector<16384x128xf32>
    tpu.vector_store %arg6[%swap3A, %swap3A_76], %add3A_75 {strides = array<i32>} : memref<16384x128xf32, #tpu.memory_space<vmem>>, vector<16384x128xf32>,
    return
  }
}

</mosaic_0001>

<sc_bundles>
// kernel: kernel.6.cloned.1.call-start
scs
__scs_entry_jumppad:
0x0: {  	(pc) =	sbr.rel $0x88, $3  }
0x1: {  	(tag) =	ssettag $0x0;
	lr =	simm.s32 $0x1  }
0x2: {  	[smem:$0x3F91] =	sst lr;
	_ =	strace $0xD0000000  }
0x3: {  	_ = 	snop  }
0x4: {  	_ = 	snop  }
0x5: {  	_ = 	snop  }
0x6: {  	_ = 	snop  }
0x7: {  	_ = 	snop  }
__scs_overlays_trampoline_lowered:
0x8: {  	[smem:$0x3FA0] =	sst s0  }
0x9: {  	[smem:$0x3FA1] =	sst s1  }
0xa: {  	[smem:$0x3FA2] =	sst s2  }
0xb: {  	[smem:$0x3FA3] =	sst s3  }
0xc: {  	[smem:$0x3FA4] =	sst s4  }
0xd: {  	[smem:$0x3FA5] =	sst s5  }
0xe: {  	[smem:$0x3FA6] =	sst s6  }
0xf: {  	[smem:$0x3FA7] =	sst s7  }
0x10: {  	[smem:$0x3FA8] =	sst s8  }
0x11: {  	[smem:$0x3FA9] =	sst s9;
	s0 =	simm.s32 @!p0 $0x0  }
0x12: {  	s1 =	sld [smem:$0x3F8F];
	s0 =	simm.s32 @p0 $0x1  }
0x13: {  	[smem:$0x3FAA] =	sst s0;
	s0 =	simm.s32 @!p1 $0x0  }
0x14: {  	s2 =	sld [smem:$0x3F8E];
	s0 =	simm.s32 @p1 $0x1  }
0x15: {  	[smem:$0x3FAB] =	sst s0;
	s0 =	simm.s32 @!p2 $0x0  }
0x16: {  	s3 =	sld [smem:$0x3FDB];
	s0 =	simm.s32 @p2 $0x1  }
0x17: {  	s4 =	simm.s32 $0x1BF5;
	[smem:$0x3FAD] =	sst s0  }
0x18: {  	s0 =	sld [smem:$0x3F90];
	_ =	swait.ge [sflag:s4], $0x0  }
0x19: {  	s7 =	sld [smem:$0x3F91]  }
0x1a: {  	s8 =	sadd.s32 $0xFFFFE003, lr  }
0x1b: {  	s9 =	sadd.s32 $0xFFFFFEF7, lr;
	s5 =	simm.s32 $0xFFFFFFFF;
	p2 =	slt.u32 s8, $0xFFFFF086  }
0x1c: {  	p1 =	slt.u32 s9, $0xF7A;
	s5 =	simm.s32 @!p2 $0x0  }
0x1d: {  	s5 =	simm.s32 @p1 $0x1;
	p0 =	seq.s32 s7, s2  }
0x1e: {  	s7 =	smul.u32 @!p0 $0xF7A, s2;
	p2 =	seq.s32 @!p0 s5, $0x0  }
0x1f: {  	s9 =	smul.u32 $0xF7A, s1;
	s8 =	simm.s32 @!p0 $0x1BF5;
	p2 =	por !p2, p0  }
0x20: {  	[sflag:s8] =	ssyncset.s32 @!p0 $0xFFFFF086;
	s6 =	sadd.s32 @!p0 s3, s7;
	s7 =	simm.s32 @!p0 $0x108  }
0x21: {  	s3 =	sadd.s32 s3, s9;
	s6 =	sadd.s32 @!p0 $0x88, s6;
	s7 =	simm.s32 @p2 $0x1082  }
0x22: {  	[simem:s7], [sflag:s8] =	dma.local @!p0 [hbm:s6], $0xF7A  }
0x23: {  	s9 =	sor.u32 $0xD0000000, s2;
	s6 =	simm.s32 $0x108;
	_ =	swait.ge @!p0 [sflag:s8], $0x0  }
0x24: {  	s3 =	sadd.s32 $0x88, s3;
	s6 =	simm.s32 @!p1 $0x1082;
	[sflag:s4] =	ssyncset.s32 $0xFFFFF086  }
0x25: {  	[simem:s6], [sflag:s4] =	dma.local [hbm:s3], $0xF7A  }
0x26: {  	[smem:$0x3F91] =	sst s1;
	(tag) =	ssettag s2;
	_ =	strace s9  }
0x27: {  	s1 =	sld [smem:$0x3FA1]  }
0x28: {  	s2 =	sld [smem:$0x3FA2]  }
0x29: {  	s4 =	sld [smem:$0x3FA4]  }
0x2a: {  	p0 =	seq.s32 s5, $0x0;
	s5 =	sld [smem:$0x3FA5]  }
0x2b: {  	s6 =	sld [smem:$0x3FA6]  }
0x2c: {  	s7 =	sld [smem:$0x3FA7]  }
0x2d: {  	s3 =	simm.s32 $0x108;
	s8 =	sld [smem:$0x3FA8]  }
0x2e: {  	s3 =	simm.s32 @!p0 $0x1082;
	s9 =	sld [smem:$0x3FA9]  }
0x2f: {  	lr =	sadd.s32 s0, s3;
	s0 =	sld [smem:$0x3FA0]  }
0x30: {  	s3 =	sld [smem:$0x3FA3]  }
0x31: {  	[smem:$0x3FAC] =	sst s10  }
0x32: {  	s10 =	sld [smem:$0x3FAA];
	_ =	sdelay $0x3  }
0x33: {  	p0 =	seq.s32 s10, $0x1;
	s10 =	sld [smem:$0x3FAC];
	_ =	sdelay $0x3  }
0x34: {  	[smem:$0x3FAC] =	sst s10  }
0x35: {  	s10 =	sld [smem:$0x3FAB];
	_ =	sdelay $0x3  }
0x36: {  	p1 =	seq.s32 s10, $0x1;
	s10 =	sld [smem:$0x3FAC];
	_ =	sdelay $0x3  }
0x37: {  	[smem:$0x3FAC] =	sst s10  }
0x38: {  	s10 =	sld [smem:$0x3FAD]  }
0x39: {  	_ = 	snop;
	(pc) =	sbr.ind lr, $3  }
0x3a: {  	_ = 	snop  }
0x3b: {  	_ = 	snop  }
0x3c: {  	p2 =	seq.s32 s10, $0x1;
	s10 =	sld [smem:$0x3FAC]  }
0x3d: {  	_ =	shalt  }
0x3e: {  	_ =	shalt  }
0x3f: {  	_ =	shalt  }
0x40: {  	_ =	shalt  }
0x41: {  	_ =	shalt  }
0x42: {  	_ =	shalt  }
0x43: {  	_ =	shalt  }
0x44: {  	_ =	shalt  }
0x45: {  	_ =	shalt  }
0x46: {  	_ =	shalt  }
0x47: {  	_ =	shalt  }
0x48: {  	_ =	shalt  }
0x49: {  	_ =	shalt  }
0x4a: {  	_ =	shalt  }
0x4b: {  	_ =	shalt  }
0x4c: {  	_ =	shalt  }
0x4d: {  	_ =	shalt  }
0x4e: {  	_ =	shalt  }
0x4f: {  	_ =	shalt  }
0x50: {  	_ =	shalt  }
0x51: {  	_ =	shalt  }
0x52: {  	_ =	shalt  }
0x53: {  	_ =	shalt  }
0x54: {  	_ =	shalt  }
0x55: {  	_ =	shalt  }
0x56: {  	_ =	shalt  }
0x57: {  	_ =	shalt  }
0x58: {  	_ =	shalt  }
0x59: {  	_ =	shalt  }
0x5a: {  	_ =	shalt  }
0x5b: {  	_ =	shalt  }
0x5c: {  	_ =	shalt  }
0x5d: {  	_ =	shalt  }
0x5e: {  	_ =	shalt  }
0x5f: {  	_ =	shalt  }
0x60: {  	_ =	shalt  }
0x61: {  	_ =	shalt  }
0x62: {  	_ =	shalt  }
0x63: {  	_ =	shalt  }
0x64: {  	_ =	shalt  }
0x65: {  	_ =	shalt  }
0x66: {  	_ =	shalt  }
0x67: {  	_ =	shalt  }
0x68: {  	_ =	shalt  }
0x69: {  	_ =	shalt  }
0x6a: {  	_ =	shalt  }
0x6b: {  	_ =	shalt  }
0x6c: {  	_ =	shalt  }
0x6d: {  	_ =	shalt  }
0x6e: {  	_ =	shalt  }
0x6f: {  	_ =	shalt  }
0x70: {  	_ =	shalt  }
0x71: {  	_ =	shalt  }
0x72: {  	_ =	shalt  }
0x73: {  	_ =	shalt  }
0x74: {  	_ =	shalt  }
0x75: {  	_ =	shalt  }
0x76: {  	_ =	shalt  }
0x77: {  	_ =	shalt  }
0x78: {  	_ =	shalt  }
0x79: {  	_ =	shalt  }
0x7a: {  	_ =	shalt  }
0x7b: {  	_ =	shalt  }
0x7c: {  	_ =	shalt  }
0x7d: {  	_ =	shalt  }
0x7e: {  	_ =	shalt  }
0x7f: {  	_ =	shalt  }
0x80: {  	_ =	shalt  }
0x81: {  	_ =	shalt  }
0x82: {  	_ =	shalt  }
0x83: {  	_ =	shalt  }
0x84: {  	_ =	shalt  }
0x85: {  	_ =	shalt  }
0x86: {  	_ =	shalt  }
0x87: {  	_ =	shalt  }
.Lfunc_end0:
.L_simem_size_0:
called_computation_lowered:
.L_overlay_start_0:
0x88: {  	s2 =	sld [smem:$0x3FD9]  }
0x89: {  	s3 =	sld [smem:$0x3FFE];
	_ =	sdelay $0x1  }
0x8a: {  	s1 =	srdreg.scid  }
0x8b: {  	s0 =	sand.u32 $0x1, s1  }
0x8c: {  	s16 =	sshll.u32 s0, $0xA;
	s2 =	sadd.s32 s3, s2  }
0x8d: {  	s2 =	sadd.s32 s2, s16  }
0x8e: {  	[smem:$0x3FB8] =	sst s2  }
0x8f: {  	_ = 	snop  }
0x90: {  	(tm) =	ssettm $0x1  }
0x91: {  	s17 =	sld [smem:$0x3FFB];
	_ =	sdelay $0x3  }
0x92: {  	_ =	strace s17  }
0x93: {  	s2 =	sld [smem:$0x3FFC];
	_ =	sdelay $0x3  }
0x94: {  	_ =	strace s2  }
0x95: {  	s2 =	sld [smem:$0x3FFD];
	_ =	sdelay $0x3  }
0x96: {  	_ =	strace s2  }
0x97: {  	_ =	strace $0x8FFFFFFF  }
0x98: {  	s18 =	sld [smem:$0x3FDB];
	_ =	sdelay $0x1  }
0x99: {  	s19 =	simm.s32 $_scs_section_size  }
0x9a: {  	s4 =	simm.s32 $_size__tile_overlayer_lowered;
	s5 =	simm.s32 $_tile_overlayer_lowered  }
0x9b: {  	s22 =	simm.s32 $0x1BFF;
	s21 =	sshll.u32 s5, $0x1;
	s2 =	sadd.s32 s19, s18  }
0x9c: {  	s6 =	simm.s32 $0x0;
	s20 =	sshll.u32 s4, $0x1;
	s4 =	sadd.s32 s21, s2  }
0x9d: {  	[timem:s6], [sflag:s22] =	dma.local [hbm:s4], s20  }
0x9e: {  	_ =	swait.ge [sflag:s22], s20  }
0x9f: {  	s3 =	ssub.s32 $0x0, s20;
	[sflag:s22] =	ssyncset.done $0x0  }
0xa0: {  	[sflag:s22] =	ssyncadd.s32 s3;
	_ =	sdelay $0x1  }
0xa1: {  	s23 =	simm.s32 $0x1B8B  }
0xa2: {  	_ =	swait.ge [sflag:s23], $0x1  }
0xa3: {  	[sflag:s23] =	ssyncset.done $0x0  }
0xa4: {  	s25 =	simm.s32 $0x1B8E;
	s24 =	sld [smem:$0x3FFE];
	[sflag:s23] =	ssyncadd.s32 $0xFFFFFFFF  }
0xa5: {  	s26 =	simm.s32 $execute0_lowered;
	[smem:$0x3FD2] =	sst s25  }
0xa6: {  	s4 =	sshll.u32 s26, $0x1;
	_ =	strace $0x80000046;
	[dreg:$0x1] =	wrdreg $0xFFFFFFFF  }
0xa7: {  	s28 =	simm.s32 $_size_execute0_lowered;
	s2 =	sadd.s32 s2, s4;
	[dreg:$0x0] =	wrdreg $0x0  }
0xa8: {  	s4 =	sshll.u32 s28, $0x1;
	[dreg:$0x2] =	wrdreg s2  }
0xa9: {  	[dreg:$0x3] =	wrdreg s4  }
0xaa: {  	[dreg:$0x4] =	wrdreg $0xC0  }
0xab: {  	_ =	task [dreg:s6], $0x5FFFF  }
0xac: {  	[dreg:$0x1] =	wrdreg $0xFFFFFFFF  }
0xad: {  	[dreg:$0x0] =	wrdreg $0x60  }
0xae: {  	[dreg:$0x2] =	wrdreg s24  }
0xaf: {  	[dreg:$0x3] =	wrdreg $0x9  }
0xb0: {  	_ =	task.clear_ibuf [dreg:s6], $0x4FFFF;
	_ =	strace $0x90000046  }
0xb1: {  	s29 =	simm.s32 $0x9;
	_ =	strace $0x80000048  }
0xb2: {  	_ =	swait.ge [sflag:s29], $0x1  }
0xb3: {  	[sflag:s29] =	ssyncadd.s32 $0xFFFFFFFF  }
0xb4: {  	_ =	strace $0x90000048  }
0xb5: {  	_ =	sfence  }
0xb6: {  	s30 =	sld [smem:$0x0];
	_ =	sdelay $0x2  }
0xb7: {  	s31 =	sshll.u32 s1, $0xD;
	s1 =	sshrl.u32 s1, $0x2  }
0xb8: {  	s3 =	sand.u32 $0x4000, s31;
	s1 =	sadd.s32 s1, s30  }
0xb9: {  	s0 =	sor.u32 s3, s0;
	s1 =	sshll.u32 s1, $0x11  }
0xba: {  	s0 =	sor.u32 s1, s0  }
0xbb: {  	s0 =	sadd.s32 $0x8F2B, s0  }
0xbc: {  	[sflag:s0] =	ssyncadd.remote.s32 $0x1  }
0xbd: {  	_ =	sfence.sel $0xFFFF  }
0xbe: {  	[dreg:$0x0] =	wrdreg $0xFFFFFFFF;
	(pc) =	sbr.abs _section_cstart, $3  }
0xbf: {  	[dreg:$0x1] =	wrdreg $0xFFFFFFFF  }
0xc0: {  	_ =	task.clear_ibuf [dreg:s6], $0x2FFFF;
	_ =	strace $0x9FFFFFFF  }
0xc1: {  	(tm) =	ssettm $0x7FFFFFFF  }
tec
execute0_lowered:
.L_overlay_start_1:
0x0: {  	(tag) =	ssettag $0x1  }
0x1: {  	s0 =	rddreg [dreg:$0x0]  }
0x2: {  	s1 =	srdreg.scid;
	s2 =	simm.s32 $0x0;
	s5 =	stileid.u32  }
0x3: {  	s8 =	simm.s32 $0x80;
	s9 =	simm.s32 $0x4000;
	s10 =	simm.s32 $0x4400  }
0x4: {  	s12 =	simm.s32 $0x4800;
	s14 =	simm.s32 $0x4C00;
	s16 =	simm.s32 $0x5000  }
0x5: {  	s18 =	simm.s32 $0x5400;
	s20 =	simm.s32 $0x5800;
	s22 =	simm.s32 $0x5C00  }
0x6: {  	s28 =	simm.s32 $0x5;
	s29 =	simm.s32 $0x6;
	s30 =	simm.s32 $0x7  }
0x7: {  	s31 =	simm.s32 $0x8;
	s11 =	simm.s32 $0xB;
	s13 =	simm.s32 $0xC  }
0x8: {  	s15 =	simm.s32 $0xD;
	s17 =	simm.s32 $0xE;
	s19 =	simm.s32 $0xF  }
0x9: {  	s21 =	simm.s32 $0x10;
	s1 =	sand.u32 $0x1, s1;
	[smem:$0x7FF] =	sst s2  }
0xa: {  	s3 =	sshll.u32 s5, $0xC;
	s23 =	sshll.u32 s5, $0xF;
	s5 =	simm.s32 $0x0  }
0xb: {  	s4 =	sshll.u32 s1, $0xB;
	_ =	strace $0x80000047;
	s24 =	ssub.s32 $0x2, s1  }
0xc: {  	s6 =	sadd.s32 s23, s0;
	s1 =	sshll.u32 s1, $0xE;
	s23 =	simm.s32 $0x1  }
0xd: {  	s3 =	sor.u32 s4, s3;
	s7 =	sshrl.u32 s24, $0x1;
	s1 =	sadd.s32 s1, s6  }
.Ltmp0:
0xe: {  	s4 =	sadd.s32 s3, s0;
	s3 =	sadd.s32 $0x12400, s0;
	(pc) =	sbr.rel .LBB2_1-.Ltmp0, $4  }
0xf: {  	s25 =	ssub.s32 s24, s7;
	s26 =	sadd.s32 $0x16400, s1;
	s24 =	simm.s32 $0x2  }
0x10: {  	s1 =	simm.s32 $0xA;
	s4 =	sadd.s32 $0x2400, s4;
	[dreg:$0x4] =	wrdreg s26  }
0x11: {  	s0 =	smax.u32 s25, $0x1;
	s25 =	simm.s32 $0x3;
	[dreg:$0x2] =	wrdreg s4  }
0x12: {  	s26 =	simm.s32 $0x4;
	[dreg:$0x3] =	wrdreg s0;
	s0 =	simm.s32 $0x9  }
.LBB2_4:
0x13: {  	_ =	swait.ge [sflag:s1], $0x400  }
0x14: {  	[sflag:s1] =	ssyncset.done $0x0  }
0x15: {  	[sflag:s1] =	ssyncadd.s32 $0xFFFFFC00  }
0x16: {  	_ =	swait.ge [sflag:s11], $0x400  }
0x17: {  	[sflag:s11] =	ssyncset.done $0x0  }
0x18: {  	[sflag:s11] =	ssyncadd.s32 $0xFFFFFC00  }
0x19: {  	_ =	swait.ge [sflag:s13], $0x400  }
0x1a: {  	[sflag:s13] =	ssyncset.done $0x0  }
0x1b: {  	[sflag:s13] =	ssyncadd.s32 $0xFFFFFC00  }
0x1c: {  	_ =	swait.ge [sflag:s15], $0x400  }
0x1d: {  	[sflag:s15] =	ssyncset.done $0x0  }
0x1e: {  	[sflag:s15] =	ssyncadd.s32 $0xFFFFFC00  }
0x1f: {  	_ =	swait.ge [sflag:s17], $0x400  }
0x20: {  	[sflag:s17] =	ssyncset.done $0x0  }
0x21: {  	[sflag:s17] =	ssyncadd.s32 $0xFFFFFC00  }
0x22: {  	_ =	swait.ge [sflag:s19], $0x400  }
0x23: {  	[sflag:s19] =	ssyncset.done $0x0  }
0x24: {  	[sflag:s19] =	ssyncadd.s32 $0xFFFFFC00  }
0x25: {  	_ =	swait.ge [sflag:s21], $0x400  }
0x26: {  	s5 =	rddreg [dreg:$0x5]  }
0x27: {  	s4 =	rddreg [dreg:$0x3];
	s5 =	sadd.s32 $0x1, s5  }
0x28: {  	p0 =	sne.s32 s5, s4  }
.Ltmp1:
0x29: {  	_ = 	snop;
	(pc) =	sbr.rel @!p0 .LBB2_5-.Ltmp1, $3  }
0x2a: {  	_ =	sdelay $0x1  }
0x2b: {  	[sflag:s21] =	ssyncset.done $0x0  }
0x2c: {  	[sflag:s21] =	ssyncadd.s32 $0xFFFFFC00  }
.LBB2_1:
0x2d: {  	[dreg:$0x5] =	wrdreg s5  }
0x2e: {  	s4 =	rddreg [dreg:$0x2];
	s7 =	simm.s32 $0x11  }
0x2f: {  	[tilespmem:s2], [sflag:$0x11] =	stream.linear.gather [hbm4b:s4+s2], $0x4000, $0x38;
	[tilespmem:$0x6000] =	vst v63  }
0x30: {  	_ =	swait.ge [sflag:s7], $0x4000  }
0x31: {  	[sflag:s7] =	ssyncset.done $0x0  }
0x32: {  	[sflag:s7] =	ssyncadd.s32 $0xFFFFC000  }
0x33: {  	[tilespmem:s9], [sflag:$0x1] =	stream.indirect.gather [hbm4b:s3+s8], $0x4, s2, s8, $0xb8;
	[tilespmem:$0x6000] =	vst v63  }
0x34: {  	_ = 	snop  }
0x35: {  	[tilespmem:s10], [sflag:$0x2] =	stream.indirect.gather [hbm4b:s3+s8], $0x4, s8, s8, $0xb8;
	[tilespmem:$0x6000] =	vst v63  }
0x36: {  	s5 =	simm.s32 $0x100  }
0x37: {  	[tilespmem:s12], [sflag:$0x3] =	stream.indirect.gather [hbm4b:s3+s8], $0x4, s5, s8, $0xb8;
	[tilespmem:$0x6000] =	vst v63  }
0x38: {  	s6 =	simm.s32 $0x180  }
0x39: {  	[tilespmem:s14], [sflag:$0x4] =	stream.indirect.gather [hbm4b:s3+s8], $0x4, s6, s8, $0xb8;
	[tilespmem:$0x6000] =	vst v63  }
0x3a: {  	s7 =	simm.s32 $0x200  }
0x3b: {  	[tilespmem:s16], [sflag:$0x5] =	stream.indirect.gather [hbm4b:s3+s8], $0x4, s7, s8, $0xb8;
	[tilespmem:$0x6000] =	vst v63  }
0x3c: {  	s5 =	simm.s32 $0x280  }
0x3d: {  	[tilespmem:s18], [sflag:$0x6] =	stream.indirect.gather [hbm4b:s3+s8], $0x4, s5, s8, $0xb8;
	[tilespmem:$0x6000] =	vst v63  }
0x3e: {  	s6 =	simm.s32 $0x300  }
0x3f: {  	[tilespmem:s20], [sflag:$0x7] =	stream.indirect.gather [hbm4b:s3+s8], $0x4, s6, s8, $0xb8;
	[tilespmem:$0x6000] =	vst v63  }
0x40: {  	s7 =	simm.s32 $0x380;
	s5 =	simm.s32 $0x0;
	s6 =	rddreg [dreg:$0x4]  }
0x41: {  	[tilespmem:s22], [sflag:$0x8] =	stream.indirect.gather [hbm4b:s3+s8], $0x4, s7, s8, $0xb8;
	[tilespmem:$0x6000] =	vst v63  }
.LBB2_2:
0x42: {  	_ =	swait.ge [sflag:s23], $0x200  }
0x43: {  	[sflag:s23] =	ssyncset.done $0x0  }
0x44: {  	[sflag:s23] =	ssyncadd.s32 $0xFFFFFE00  }
0x45: {  	[hbm4b:s6+s2] =	stream.linear.scatter [tilespmem:s9], [sflag:$0x9], $0x400, $0x38;
	[tilespmem:$0x6000] =	vst v63  }
0x46: {  	_ =	swait.ge [sflag:s24], $0x200  }
0x47: {  	[sflag:s24] =	ssyncset.done $0x0  }
0x48: {  	s7 =	sadd.s32 $0x80, s6;
	[sflag:s24] =	ssyncadd.s32 $0xFFFFFE00  }
0x49: {  	[hbm4b:s7+s2] =	stream.linear.scatter [tilespmem:s10], [sflag:$0xA], $0x400, $0x38;
	[tilespmem:$0x6000] =	vst v63  }
0x4a: {  	_ =	swait.ge [sflag:s25], $0x200  }
0x4b: {  	[sflag:s25] =	ssyncset.done $0x0  }
0x4c: {  	s4 =	sadd.s32 $0x100, s6;
	[sflag:s25] =	ssyncadd.s32 $0xFFFFFE00  }
0x4d: {  	[hbm4b:s4+s2] =	stream.linear.scatter [tilespmem:s12], [sflag:$0xB], $0x400, $0x38;
	[tilespmem:$0x6000] =	vst v63  }
0x4e: {  	_ =	swait.ge [sflag:s26], $0x200  }
0x4f: {  	[sflag:s26] =	ssyncset.done $0x0  }
0x50: {  	s4 =	sadd.s32 $0x180, s6;
	[sflag:s26] =	ssyncadd.s32 $0xFFFFFE00  }
0x51: {  	[hbm4b:s4+s2] =	stream.linear.scatter [tilespmem:s14], [sflag:$0xC], $0x400, $0x38;
	[tilespmem:$0x6000] =	vst v63  }
0x52: {  	_ =	swait.ge [sflag:s28], $0x200  }
0x53: {  	[sflag:s28] =	ssyncset.done $0x0  }
0x54: {  	s4 =	sadd.s32 $0x200, s6;
	[sflag:s28] =	ssyncadd.s32 $0xFFFFFE00  }
0x55: {  	[hbm4b:s4+s2] =	stream.linear.scatter [tilespmem:s16], [sflag:$0xD], $0x400, $0x38;
	[tilespmem:$0x6000] =	vst v63  }
0x56: {  	_ =	swait.ge [sflag:s29], $0x200  }
0x57: {  	[sflag:s29] =	ssyncset.done $0x0  }
0x58: {  	s4 =	sadd.s32 $0x280, s6;
	[sflag:s29] =	ssyncadd.s32 $0xFFFFFE00  }
0x59: {  	[hbm4b:s4+s2] =	stream.linear.scatter [tilespmem:s18], [sflag:$0xE], $0x400, $0x38;
	[tilespmem:$0x6000] =	vst v63  }
0x5a: {  	_ =	swait.ge [sflag:s30], $0x200  }
0x5b: {  	[sflag:s30] =	ssyncset.done $0x0  }
0x5c: {  	s4 =	sadd.s32 $0x300, s6;
	[sflag:s30] =	ssyncadd.s32 $0xFFFFFE00  }
0x5d: {  	[hbm4b:s4+s2] =	stream.linear.scatter [tilespmem:s20], [sflag:$0xF], $0x400, $0x38;
	[tilespmem:$0x6000] =	vst v63  }
0x5e: {  	_ =	swait.ge [sflag:s31], $0x200  }
0x5f: {  	p0 =	seq.s32 s5, $0xF000;
	[sflag:s31] =	ssyncset.done $0x0  }
.Ltmp2:
0x60: {  	s4 =	sadd.s32 $0x380, s6;
	[sflag:s31] =	ssyncadd.s32 $0xFFFFFE00;
	(pc) =	sbr.rel @p0 .LBB2_4-.Ltmp2, $4  }
0x61: {  	[hbm4b:s4+s2] =	stream.linear.scatter [tilespmem:s22], [sflag:$0x10], $0x400, $0x38;
	[tilespmem:$0x6000] =	vst v63  }
0x62: {  	_ =	swait.ge [sflag:s0], $0x400  }
0x63: {  	[sflag:s0] =	ssyncset.done $0x0  }
0x64: {  	[sflag:s0] =	ssyncadd.s32 $0xFFFFFC00  }
0x65: {  	s7 =	sshra.s32 s5, $0x2  }
0x66: {  	s4 =	sadd.s32 $0x400, s7  }
0x67: {  	[tilespmem:s9], [sflag:$0x1] =	stream.indirect.gather [hbm4b:s3+s8], $0x4, s4, s8, $0xb8;
	[tilespmem:$0x6000] =	vst v63  }
0x68: {  	_ =	swait.ge [sflag:s1], $0x400  }
0x69: {  	[sflag:s1] =	ssyncset.done $0x0  }
0x6a: {  	s4 =	sadd.s32 $0x480, s7;
	[sflag:s1] =	ssyncadd.s32 $0xFFFFFC00  }
0x6b: {  	[tilespmem:s10], [sflag:$0x2] =	stream.indirect.gather [hbm4b:s3+s8], $0x4, s4, s8, $0xb8;
	[tilespmem:$0x6000] =	vst v63  }
0x6c: {  	_ =	swait.ge [sflag:s11], $0x400  }
0x6d: {  	[sflag:s11] =	ssyncset.done $0x0  }
0x6e: {  	s4 =	sadd.s32 $0x500, s7;
	[sflag:s11] =	ssyncadd.s32 $0xFFFFFC00  }
0x6f: {  	[tilespmem:s12], [sflag:$0x3] =	stream.indirect.gather [hbm4b:s3+s8], $0x4, s4, s8, $0xb8;
	[tilespmem:$0x6000] =	vst v63  }
0x70: {  	_ =	swait.ge [sflag:s13], $0x400  }
0x71: {  	[sflag:s13] =	ssyncset.done $0x0  }
0x72: {  	s4 =	sadd.s32 $0x580, s7;
	[sflag:s13] =	ssyncadd.s32 $0xFFFFFC00  }
0x73: {  	[tilespmem:s14], [sflag:$0x4] =	stream.indirect.gather [hbm4b:s3+s8], $0x4, s4, s8, $0xb8;
	[tilespmem:$0x6000] =	vst v63  }
0x74: {  	_ =	swait.ge [sflag:s15], $0x400  }
0x75: {  	[sflag:s15] =	ssyncset.done $0x0  }
0x76: {  	s4 =	sadd.s32 $0x600, s7;
	[sflag:s15] =	ssyncadd.s32 $0xFFFFFC00  }
0x77: {  	[tilespmem:s16], [sflag:$0x5] =	stream.indirect.gather [hbm4b:s3+s8], $0x4, s4, s8, $0xb8;
	[tilespmem:$0x6000] =	vst v63  }
0x78: {  	_ =	swait.ge [sflag:s17], $0x400  }
0x79: {  	[sflag:s17] =	ssyncset.done $0x0  }
0x7a: {  	s4 =	sadd.s32 $0x680, s7;
	[sflag:s17] =	ssyncadd.s32 $0xFFFFFC00  }
0x7b: {  	[tilespmem:s18], [sflag:$0x6] =	stream.indirect.gather [hbm4b:s3+s8], $0x4, s4, s8, $0xb8;
	[tilespmem:$0x6000] =	vst v63  }
0x7c: {  	_ =	swait.ge [sflag:s19], $0x400  }
0x7d: {  	[sflag:s19] =	ssyncset.done $0x0  }
0x7e: {  	s4 =	sadd.s32 $0x700, s7;
	[sflag:s19] =	ssyncadd.s32 $0xFFFFFC00  }
0x7f: {  	[tilespmem:s20], [sflag:$0x7] =	stream.indirect.gather [hbm4b:s3+s8], $0x4, s4, s8, $0xb8;
	[tilespmem:$0x6000] =	vst v63  }
.Ltmp3:
0x80: {  	_ = 	snop;
	(pc) =	sbr.rel .LBB2_2-.Ltmp3, $4  }
0x81: {  	_ =	swait.ge [sflag:s21], $0x400  }
0x82: {  	s5 =	sadd.s32 $0x1000, s5;
	[sflag:s21] =	ssyncset.done $0x0  }
0x83: {  	s6 =	sadd.s32 $0x400, s6;
	s7 =	sadd.s32 $0x780, s7;
	[sflag:s21] =	ssyncadd.s32 $0xFFFFFC00  }
0x84: {  	[tilespmem:s22], [sflag:$0x8] =	stream.indirect.gather [hbm4b:s3+s8], $0x4, s7, s8, $0xb8;
	[tilespmem:$0x6000] =	vst v63  }
.LBB2_5:
0x85: {  	_ =	sfence.sel $0x180000  }
0x86: {  	[bflag:$0x0] =	sbarrier.arrive $0xFFFF  }
0x87: {  	_ =	strace $0x90000047  }
0x88: {  	s0 =	stileid.u32;
	[bflag:$0x2] =	sbarrier.arrive $0xFFFF  }
0x89: {  	p0 =	sne.s32 s0, $0x0;
	s0 =	rddreg [dreg:$0x1]  }
0x8a: {  	s0 =	sadd.s32 @!p0 $0x100000, s0  }
0x8b: {  	[sflag:s0] =	ssyncadd.tile.s32 @!p0 $0x1;
	_ =	shalt  }
.Lfunc_end2:
_tile_overlayer_lowered:
.L_overlay_start_2:
0x8c: {  	(tag) =	ssettag $0x2  }
0x8d: {  	s0 =	rddreg [dreg:$0x0];
	s2 =	stileid.u32  }
0x8e: {  	s1 =	rddreg [dreg:$0x1];
	p0 =	sne.s32 s2, $0x0  }
0x8f: {  	s3 =	rddreg [dreg:$0x2];
	[bflag:$0x3] =	sbarrier.arrive $0xFFFF;
	s2 =	simm.s32 @!p0 $0x1C11  }
0x90: {  	[timem:s3], [sflag:s2] =	dma.local @!p0 [hbm:s0], s1  }
0x91: {  	s0 =	simm.s32 @!p0 $0x11  }
0x92: {  	_ =	swait.ge @!p0 [sflag:s0], s1  }
0x93: {  	s1 =	ssub.s32 @!p0 $0x0, s1;
	[sflag:s0] =	ssyncset.done @!p0 $0x0  }
0x94: {  	[sflag:s0] =	ssyncadd.s32 @!p0 s1  }
0x95: {  	[bflag:$0x3] =	sbarrier.arrive $0xFFFF  }
0x96: {  	_ =	shalt  }

</sc_bundles>
